<compile_context>
chip_gen: v7x
topology: tpu7x:2x2x1
jax: 0.10.2.dev20260603
libtpu: 0.0.44.dev20260713+nightly
codegen_flags: <defaults>
</compile_context>

<pallas_src>
import functools

import jax
import jax.numpy as jnp
from jax import lax
from jax.experimental import pallas as pl
from jax.experimental.pallas import tpu as pltpu
from jax.experimental.pallas import tpu_sc as plsc

CODEBOOK = 1024
DIM = 32
TBLK = 2048

_info = plsc.get_sparse_core_info()
_NW = _info.num_cores * _info.num_subcores


def _vq_block(z_ref, emb_ref, ids_ref, acc_ref):
    zb = z_ref[0]
    emb = emb_ref[...]
    emb_sq = jnp.sum(emb * emb, axis=1, keepdims=True)
    z_sq = jnp.sum(zb * zb, axis=0, keepdims=True)
    m2scores = jax.lax.dot_general(
        emb * jnp.float32(-2.0), zb, (((1,), (0,)), ((), ())),
        preferred_element_type=jnp.float32)
    d = (z_sq + emb_sq) + m2scores
    dmin = jnp.min(d, axis=0)
    iota = jax.lax.broadcasted_iota(jnp.int32, d.shape, 0).astype(jnp.float32)
    sel = jnp.where(d == dmin[None, :], iota, jnp.float32(CODEBOOK))
    ids_f = jnp.min(sel, axis=0)
    ids_ref[0, 0, :] = ids_f.astype(jnp.int32)

    part = jnp.sum(dmin).reshape(1, 1)
    step = pl.program_id(0) * pl.num_programs(1) + pl.program_id(1)

    @pl.when(step == 0)
    def _init():
        acc_ref[...] = part

    @pl.when(step != 0)
    def _accum():
        acc_ref[...] += part


def _sc_gather(table, idx, B, C, T):
    BT = idx.shape[0]
    b_per_w = BT // _NW
    w_per_b = T // b_per_w
    ngroups = b_per_w // 16
    mesh = plsc.VectorSubcoreMesh(core_axis_name="c", subcore_axis_name="s")

    @functools.partial(
        pl.kernel, mesh=mesh,
        out_type=jax.ShapeDtypeStruct((B, C, T), jnp.float32),
        compiler_params=pltpu.CompilerParams(needs_layout_passes=False),
        scratch_types=[
            pltpu.VMEM((CODEBOOK * DIM,), jnp.float32),
            pltpu.VMEM((b_per_w,), jnp.int32),
            pltpu.VMEM((DIM, b_per_w), jnp.float32),
        ],
    )
    def k(table_hbm, idx_hbm, out_hbm, table_v, idx_v, out_v):
        wid = lax.axis_index("s") * _info.num_cores + lax.axis_index("c")
        base = wid * b_per_w
        pltpu.sync_copy(table_hbm, table_v)
        pltpu.sync_copy(idx_hbm.at[pl.ds(base, b_per_w)], idx_v)

        def body(g, carry):
            flat = idx_v[pl.ds(g * 16, 16)] * DIM
            for dcol in range(DIM):
                out_v[dcol, pl.ds(g * 16, 16)] = plsc.load_gather(
                    table_v, [flat + dcol])
            return carry

        jax.lax.fori_loop(0, ngroups, body, 0)
        b_idx = wid // w_per_b
        t0 = (wid % w_per_b) * b_per_w
        pltpu.sync_copy(out_v, out_hbm.at[b_idx, :, pl.ds(t0, b_per_w)])

    return k(table.reshape(CODEBOOK * DIM), idx)


@jax.jit
def _vq(z, embedding_table):
    B, C, H, W = z.shape
    T = H * W
    nblk = T // TBLK
    z3 = z.reshape(B, C, T)

    grid = (B, nblk)
    ids3, acc = pl.pallas_call(
        _vq_block,
        grid=grid,
        in_specs=[
            pl.BlockSpec((1, C, TBLK), lambda b, t: (b, 0, t)),
            pl.BlockSpec((CODEBOOK, DIM), lambda b, t: (0, 0)),
        ],
        out_specs=[
            pl.BlockSpec((1, 1, TBLK), lambda b, t: (b * nblk + t, 0, 0)),
            pl.BlockSpec((1, 1), lambda b, t: (0, 0)),
        ],
        out_shape=[
            jax.ShapeDtypeStruct((B * nblk, 1, TBLK), jnp.int32),
            jax.ShapeDtypeStruct((1, 1), jnp.float32),
        ],
    )(z3, embedding_table)

    ids = ids3.reshape(B * T)
    zq3 = _sc_gather(embedding_table, ids, B, C, T)
    z_q = zq3.reshape(B, C, H, W)
    z_q = z + (z_q - z)
    mse = acc[0, 0] / (B * T * C)
    commitment_loss = 0.25 * mse
    codebook_loss = mse
    loss = commitment_loss + codebook_loss
    return (z_q, loss, commitment_loss, codebook_loss, ids)


def kernel(z, embedding_table):
    return _vq(z, embedding_table)

# --- scband reference (transcript-rebuilt; emitter-appended) ---
"""Pipeline reference for scband-vector-quantizer-25984552141284 (READ-ONLY COPY).

The authoritative reference and input builder live on the scoring server;
editing this copy changes nothing except your own understanding.
"""

import jax, jax.numpy as jnp
import numpy as np

CODEBOOK_SIZE = 1024
EMBED_DIM = 32
COMMITMENT_COST = 0.25


def setup_inputs(seed: int = 0) -> dict:
    key = jax.random.key(seed)
    k1, k2 = jax.random.split(key)
    z = jax.random.normal(k1, (8, 32, 64, 64), dtype=jnp.float32)
    embedding_table = jax.random.uniform(
        k2, (CODEBOOK_SIZE, EMBED_DIM), dtype=jnp.float32,
        minval=-1.0 / CODEBOOK_SIZE, maxval=1.0 / CODEBOOK_SIZE)
    return {"z": z, "embedding_table": embedding_table}


def reference(z, embedding_table):
    z = z.astype(jnp.float32)
    # b c h w -> b h w c
    z = jnp.transpose(z, (0, 2, 3, 1))
    z_flat = z.reshape(-1, z.shape[-1])
    emb = embedding_table
    d = (jnp.sum(z_flat ** 2, axis=1, keepdims=True)
         + jnp.sum(emb ** 2, axis=1)
         - 2.0 * (z_flat @ emb.T))
    closest_embedding_ids = jnp.argmin(d, axis=1)
    z_q = jnp.take(emb, closest_embedding_ids, axis=0).reshape(z.shape)
    commitment_loss = COMMITMENT_COST * jnp.mean((jax.lax.stop_gradient(z_q) - z) ** 2)
    codebook_loss = jnp.mean((z_q - jax.lax.stop_gradient(z)) ** 2)
    loss = commitment_loss + codebook_loss
    z_q = z + jax.lax.stop_gradient(z_q - z)
    # b h w c -> b c h w
    z_q = jnp.transpose(z_q, (0, 3, 1, 2))
    return (z_q, loss, commitment_loss, codebook_loss, closest_embedding_ids)

if __name__ == "__main__":
    import jax
    _d = setup_inputs()
    print(jax.jit(kernel)(*tuple(_d.values())))

</pallas_src>

<mosaic_0001>
#map = affine_map<(d0, d1) -> (0)>
#map1 = affine_map<(d0, d1) -> (0, 0, 0)>
module attributes {stable_mosaic.version = 14 : i64} {
  func.func @k(%arg0: i32, %arg1: i32, %arg2: memref<32768xf32, #tpu.memory_space<hbm>>, %arg3: memref<32768xi32, #tpu.memory_space<hbm>>, %arg4: memref<8x32x4096xf32, #tpu.memory_space<hbm>>, %arg5: memref<32768xf32, #tpu.memory_space<vmem>>, %arg6: memref<1024xi32, #tpu.memory_space<vmem>>, %arg7: memref<32x1024xf32, #tpu.memory_space<vmem>>) attributes {dimension_semantics = [#tpu.dimension_semantics<core_parallel>, #tpu.dimension_semantics<subcore_parallel>], iteration_bounds = array<i64: 2, 16>, scalar_prefetch = 0 : i64, scratch_operands = 3 : i64, tpu.core_type = #tpu.core_type<sc_vector_subcore>, window_params = [{transform_indices = #map}, {transform_indices = #map}, {transform_indices = #map1}]} {
    %mul3A = arith.constant 2 : i32
    %mul3A_0 = arith.muli %arg1, %mul3A : i32
    %add3A = arith.addi %mul3A_0, %arg0 : i32
    %mul3A_1 = arith.constant 1024 : i32
    %mul3A_2 = arith.muli %add3A, %mul3A_1 : i32
    "tpu.region"() ({
      %run_scoped3A = tpu.sem_alloc : memref<!tpu.dma_semaphore, #tpu.memory_space<semaphore_mem>>
      tpu.enqueue_dma source(%arg2 : memref<32768xf32, #tpu.memory_space<hbm>>) target(%arg5 : memref<32768xf32, #tpu.memory_space<vmem>>) target_semaphore(%run_scoped3A : memref<!tpu.dma_semaphore, #tpu.memory_space<semaphore_mem>>)
      tpu.wait_dma2 semaphore(%run_scoped3A : memref<!tpu.dma_semaphore, #tpu.memory_space<semaphore_mem>>) src(%arg2 : memref<32768xf32, #tpu.memory_space<hbm>>) dst(%arg5 : memref<32768xf32, #tpu.memory_space<vmem>>)
      tpu.yield
    }) : () -> ()
    "tpu.region"() ({
      %run_scoped3A = tpu.sem_alloc : memref<!tpu.dma_semaphore, #tpu.memory_space<semaphore_mem>>
      %dma_start3A = tpu.memref_slice %arg3[%mul3A_2] : memref<32768xi32, #tpu.memory_space<hbm>> -> memref<1024xi32, #tpu.memory_space<hbm>>
      %dma_start3A_40 = tpu.memref_slice %arg3[%mul3A_2] : memref<32768xi32, #tpu.memory_space<hbm>> -> memref<1024xi32, #tpu.memory_space<hbm>>
      tpu.enqueue_dma source(%dma_start3A_40 : memref<1024xi32, #tpu.memory_space<hbm>>) target(%arg6 : memref<1024xi32, #tpu.memory_space<vmem>>) target_semaphore(%run_scoped3A : memref<!tpu.dma_semaphore, #tpu.memory_space<semaphore_mem>>)
      %dma_wait3A = tpu.memref_slice %arg3[%mul3A_2] : memref<32768xi32, #tpu.memory_space<hbm>> -> memref<1024xi32, #tpu.memory_space<hbm>>
      %dma_wait3A_41 = tpu.memref_slice %arg3[%mul3A_2] : memref<32768xi32, #tpu.memory_space<hbm>> -> memref<1024xi32, #tpu.memory_space<hbm>>
      tpu.wait_dma2 semaphore(%run_scoped3A : memref<!tpu.dma_semaphore, #tpu.memory_space<semaphore_mem>>) src(%dma_wait3A_41 : memref<1024xi32, #tpu.memory_space<hbm>>) dst(%arg6 : memref<1024xi32, #tpu.memory_space<vmem>>)
      tpu.yield
    }) : () -> ()
    %scan3A = arith.constant 0 : i32
    %scan3A_3 = arith.constant 0 : i32
    %scan3A_4 = arith.constant 64 : i32
    %scan3A_5 = arith.addi %scan3A_3, %scan3A_4 : i32
    %scan3A_6 = arith.constant 1 : i32
    scf.for %scan3A_40 = %scan3A_3 to %scan3A_5 step %scan3A_6  : i32 {
      %mul3A_41 = arith.constant 16 : i32
      %mul3A_42 = arith.muli %scan3A_40, %mul3A_41 : i32
      %get3A = arith.index_cast %mul3A_42 : i32 to index
      %get3A_43 = tpu.vector_load %arg6[%get3A] {strides = array<i32>} : memref<1024xi32, #tpu.memory_space<vmem>>, vector<16xi32>,
      %mul3A_44 = arith.constant 32 : i32
      %mul3A_45 = vector.broadcast %mul3A_44 : i32 to vector<16xi32>
      %mul3A_46 = arith.muli %get3A_43, %mul3A_45 : vector<16xi32>
      %add3A_47 = arith.constant 0 : i32
      %add3A_48 = vector.broadcast %add3A_47 : i32 to vector<16xi32>
      %add3A_49 = arith.addi %mul3A_46, %add3A_48 : vector<16xi32>
      %gather3A = tpu.vector_load_idx %arg5[%add3A_49] : memref<32768xf32, #tpu.memory_space<vmem>>[vector<16xi32>], vector<16xf32>,
      %mul3A_50 = arith.constant 16 : i32
      %mul3A_51 = arith.muli %scan3A_40, %mul3A_50 : i32
      %swap3A = arith.constant 0 : i32
      %swap3A_52 = arith.index_cast %swap3A : i32 to index
      %swap3A_53 = arith.index_cast %mul3A_51 : i32 to index
      %swap3A_54 = tpu.vector_load %arg7[%swap3A_52, %swap3A_53] {strides = array<i32>} : memref<32x1024xf32, #tpu.memory_space<vmem>>, vector<16xf32>,
      tpu.vector_store %arg7[%swap3A_52, %swap3A_53], %gather3A {strides = array<i32>} : memref<32x1024xf32, #tpu.memory_space<vmem>>, vector<16xf32>,
      %add3A_55 = arith.constant 1 : i32
      %add3A_56 = vector.broadcast %add3A_55 : i32 to vector<16xi32>
      %add3A_57 = arith.addi %mul3A_46, %add3A_56 : vector<16xi32>
      %gather3A_58 = tpu.vector_load_idx %arg5[%add3A_57] : memref<32768xf32, #tpu.memory_space<vmem>>[vector<16xi32>], vector<16xf32>,
      %mul3A_59 = arith.constant 16 : i32
      %mul3A_60 = arith.muli %scan3A_40, %mul3A_59 : i32
      %swap3A_61 = arith.constant 1 : i32
      %swap3A_62 = arith.index_cast %swap3A_61 : i32 to index
      %swap3A_63 = arith.index_cast %mul3A_60 : i32 to index
      %swap3A_64 = tpu.vector_load %arg7[%swap3A_62, %swap3A_63] {strides = array<i32>} : memref<32x1024xf32, #tpu.memory_space<vmem>>, vector<16xf32>,
      tpu.vector_store %arg7[%swap3A_62, %swap3A_63], %gather3A_58 {strides = array<i32>} : memref<32x1024xf32, #tpu.memory_space<vmem>>, vector<16xf32>,
      %add3A_65 = arith.constant 2 : i32
      %add3A_66 = vector.broadcast %add3A_65 : i32 to vector<16xi32>
      %add3A_67 = arith.addi %mul3A_46, %add3A_66 : vector<16xi32>
      %gather3A_68 = tpu.vector_load_idx %arg5[%add3A_67] : memref<32768xf32, #tpu.memory_space<vmem>>[vector<16xi32>], vector<16xf32>,
      %mul3A_69 = arith.constant 16 : i32
      %mul3A_70 = arith.muli %scan3A_40, %mul3A_69 : i32
      %swap3A_71 = arith.constant 2 : i32
      %swap3A_72 = arith.index_cast %swap3A_71 : i32 to index
      %swap3A_73 = arith.index_cast %mul3A_70 : i32 to index
      %swap3A_74 = tpu.vector_load %arg7[%swap3A_72, %swap3A_73] {strides = array<i32>} : memref<32x1024xf32, #tpu.memory_space<vmem>>, vector<16xf32>,
      tpu.vector_store %arg7[%swap3A_72, %swap3A_73], %gather3A_68 {strides = array<i32>} : memref<32x1024xf32, #tpu.memory_space<vmem>>, vector<16xf32>,
      %add3A_75 = arith.constant 3 : i32
      %add3A_76 = vector.broadcast %add3A_75 : i32 to vector<16xi32>
      %add3A_77 = arith.addi %mul3A_46, %add3A_76 : vector<16xi32>
      %gather3A_78 = tpu.vector_load_idx %arg5[%add3A_77] : memref<32768xf32, #tpu.memory_space<vmem>>[vector<16xi32>], vector<16xf32>,
      %mul3A_79 = arith.constant 16 : i32
      %mul3A_80 = arith.muli %scan3A_40, %mul3A_79 : i32
      %swap3A_81 = arith.constant 3 : i32
      %swap3A_82 = arith.index_cast %swap3A_81 : i32 to index
      %swap3A_83 = arith.index_cast %mul3A_80 : i32 to index
      %swap3A_84 = tpu.vector_load %arg7[%swap3A_82, %swap3A_83] {strides = array<i32>} : memref<32x1024xf32, #tpu.memory_space<vmem>>, vector<16xf32>,
      tpu.vector_store %arg7[%swap3A_82, %swap3A_83], %gather3A_78 {strides = array<i32>} : memref<32x1024xf32, #tpu.memory_space<vmem>>, vector<16xf32>,
      %add3A_85 = arith.constant 4 : i32
      %add3A_86 = vector.broadcast %add3A_85 : i32 to vector<16xi32>
      %add3A_87 = arith.addi %mul3A_46, %add3A_86 : vector<16xi32>
      %gather3A_88 = tpu.vector_load_idx %arg5[%add3A_87] : memref<32768xf32, #tpu.memory_space<vmem>>[vector<16xi32>], vector<16xf32>,
      %mul3A_89 = arith.constant 16 : i32
      %mul3A_90 = arith.muli %scan3A_40, %mul3A_89 : i32
      %swap3A_91 = arith.constant 4 : i32
      %swap3A_92 = arith.index_cast %swap3A_91 : i32 to index
      %swap3A_93 = arith.index_cast %mul3A_90 : i32 to index
      %swap3A_94 = tpu.vector_load %arg7[%swap3A_92, %swap3A_93] {strides = array<i32>} : memref<32x1024xf32, #tpu.memory_space<vmem>>, vector<16xf32>,
      tpu.vector_store %arg7[%swap3A_92, %swap3A_93], %gather3A_88 {strides = array<i32>} : memref<32x1024xf32, #tpu.memory_space<vmem>>, vector<16xf32>,
      %add3A_95 = arith.constant 5 : i32
      %add3A_96 = vector.broadcast %add3A_95 : i32 to vector<16xi32>
      %add3A_97 = arith.addi %mul3A_46, %add3A_96 : vector<16xi32>
      %gather3A_98 = tpu.vector_load_idx %arg5[%add3A_97] : memref<32768xf32, #tpu.memory_space<vmem>>[vector<16xi32>], vector<16xf32>,
      %mul3A_99 = arith.constant 16 : i32
      %mul3A_100 = arith.muli %scan3A_40, %mul3A_99 : i32
      %swap3A_101 = arith.constant 5 : i32
      %swap3A_102 = arith.index_cast %swap3A_101 : i32 to index
      %swap3A_103 = arith.index_cast %mul3A_100 : i32 to index
      %swap3A_104 = tpu.vector_load %arg7[%swap3A_102, %swap3A_103] {strides = array<i32>} : memref<32x1024xf32, #tpu.memory_space<vmem>>, vector<16xf32>,
      tpu.vector_store %arg7[%swap3A_102, %swap3A_103], %gather3A_98 {strides = array<i32>} : memref<32x1024xf32, #tpu.memory_space<vmem>>, vector<16xf32>,
      %add3A_105 = arith.constant 6 : i32
      %add3A_106 = vector.broadcast %add3A_105 : i32 to vector<16xi32>
      %add3A_107 = arith.addi %mul3A_46, %add3A_106 : vector<16xi32>
      %gather3A_108 = tpu.vector_load_idx %arg5[%add3A_107] : memref<32768xf32, #tpu.memory_space<vmem>>[vector<16xi32>], vector<16xf32>,
      %mul3A_109 = arith.constant 16 : i32
      %mul3A_110 = arith.muli %scan3A_40, %mul3A_109 : i32
      %swap3A_111 = arith.constant 6 : i32
      %swap3A_112 = arith.index_cast %swap3A_111 : i32 to index
      %swap3A_113 = arith.index_cast %mul3A_110 : i32 to index
      %swap3A_114 = tpu.vector_load %arg7[%swap3A_112, %swap3A_113] {strides = array<i32>} : memref<32x1024xf32, #tpu.memory_space<vmem>>, vector<16xf32>,
      tpu.vector_store %arg7[%swap3A_112, %swap3A_113], %gather3A_108 {strides = array<i32>} : memref<32x1024xf32, #tpu.memory_space<vmem>>, vector<16xf32>,
      %add3A_115 = arith.constant 7 : i32
      %add3A_116 = vector.broadcast %add3A_115 : i32 to vector<16xi32>
      %add3A_117 = arith.addi %mul3A_46, %add3A_116 : vector<16xi32>
      %gather3A_118 = tpu.vector_load_idx %arg5[%add3A_117] : memref<32768xf32, #tpu.memory_space<vmem>>[vector<16xi32>], vector<16xf32>,
      %mul3A_119 = arith.constant 16 : i32
      %mul3A_120 = arith.muli %scan3A_40, %mul3A_119 : i32
      %swap3A_121 = arith.constant 7 : i32
      %swap3A_122 = arith.index_cast %swap3A_121 : i32 to index
      %swap3A_123 = arith.index_cast %mul3A_120 : i32 to index
      %swap3A_124 = tpu.vector_load %arg7[%swap3A_122, %swap3A_123] {strides = array<i32>} : memref<32x1024xf32, #tpu.memory_space<vmem>>, vector<16xf32>,
      tpu.vector_store %arg7[%swap3A_122, %swap3A_123], %gather3A_118 {strides = array<i32>} : memref<32x1024xf32, #tpu.memory_space<vmem>>, vector<16xf32>,
      %add3A_125 = arith.constant 8 : i32
      %add3A_126 = vector.broadcast %add3A_125 : i32 to vector<16xi32>
      %add3A_127 = arith.addi %mul3A_46, %add3A_126 : vector<16xi32>
      %gather3A_128 = tpu.vector_load_idx %arg5[%add3A_127] : memref<32768xf32, #tpu.memory_space<vmem>>[vector<16xi32>], vector<16xf32>,
      %mul3A_129 = arith.constant 16 : i32
      %mul3A_130 = arith.muli %scan3A_40, %mul3A_129 : i32
      %swap3A_131 = arith.constant 8 : i32
      %swap3A_132 = arith.index_cast %swap3A_131 : i32 to index
      %swap3A_133 = arith.index_cast %mul3A_130 : i32 to index
      %swap3A_134 = tpu.vector_load %arg7[%swap3A_132, %swap3A_133] {strides = array<i32>} : memref<32x1024xf32, #tpu.memory_space<vmem>>, vector<16xf32>,
      tpu.vector_store %arg7[%swap3A_132, %swap3A_133], %gather3A_128 {strides = array<i32>} : memref<32x1024xf32, #tpu.memory_space<vmem>>, vector<16xf32>,
      %add3A_135 = arith.constant 9 : i32
      %add3A_136 = vector.broadcast %add3A_135 : i32 to vector<16xi32>
      %add3A_137 = arith.addi %mul3A_46, %add3A_136 : vector<16xi32>
      %gather3A_138 = tpu.vector_load_idx %arg5[%add3A_137] : memref<32768xf32, #tpu.memory_space<vmem>>[vector<16xi32>], vector<16xf32>,
      %mul3A_139 = arith.constant 16 : i32
      %mul3A_140 = arith.muli %scan3A_40, %mul3A_139 : i32
      %swap3A_141 = arith.constant 9 : i32
      %swap3A_142 = arith.index_cast %swap3A_141 : i32 to index
      %swap3A_143 = arith.index_cast %mul3A_140 : i32 to index
      %swap3A_144 = tpu.vector_load %arg7[%swap3A_142, %swap3A_143] {strides = array<i32>} : memref<32x1024xf32, #tpu.memory_space<vmem>>, vector<16xf32>,
      tpu.vector_store %arg7[%swap3A_142, %swap3A_143], %gather3A_138 {strides = array<i32>} : memref<32x1024xf32, #tpu.memory_space<vmem>>, vector<16xf32>,
      %add3A_145 = arith.constant 10 : i32
      %add3A_146 = vector.broadcast %add3A_145 : i32 to vector<16xi32>
      %add3A_147 = arith.addi %mul3A_46, %add3A_146 : vector<16xi32>
      %gather3A_148 = tpu.vector_load_idx %arg5[%add3A_147] : memref<32768xf32, #tpu.memory_space<vmem>>[vector<16xi32>], vector<16xf32>,
      %mul3A_149 = arith.constant 16 : i32
      %mul3A_150 = arith.muli %scan3A_40, %mul3A_149 : i32
      %swap3A_151 = arith.constant 10 : i32
      %swap3A_152 = arith.index_cast %swap3A_151 : i32 to index
      %swap3A_153 = arith.index_cast %mul3A_150 : i32 to index
      %swap3A_154 = tpu.vector_load %arg7[%swap3A_152, %swap3A_153] {strides = array<i32>} : memref<32x1024xf32, #tpu.memory_space<vmem>>, vector<16xf32>,
      tpu.vector_store %arg7[%swap3A_152, %swap3A_153], %gather3A_148 {strides = array<i32>} : memref<32x1024xf32, #tpu.memory_space<vmem>>, vector<16xf32>,
      %add3A_155 = arith.constant 11 : i32
      %add3A_156 = vector.broadcast %add3A_155 : i32 to vector<16xi32>
      %add3A_157 = arith.addi %mul3A_46, %add3A_156 : vector<16xi32>
      %gather3A_158 = tpu.vector_load_idx %arg5[%add3A_157] : memref<32768xf32, #tpu.memory_space<vmem>>[vector<16xi32>], vector<16xf32>,
      %mul3A_159 = arith.constant 16 : i32
      %mul3A_160 = arith.muli %scan3A_40, %mul3A_159 : i32
      %swap3A_161 = arith.constant 11 : i32
      %swap3A_162 = arith.index_cast %swap3A_161 : i32 to index
      %swap3A_163 = arith.index_cast %mul3A_160 : i32 to index
      %swap3A_164 = tpu.vector_load %arg7[%swap3A_162, %swap3A_163] {strides = array<i32>} : memref<32x1024xf32, #tpu.memory_space<vmem>>, vector<16xf32>,
      tpu.vector_store %arg7[%swap3A_162, %swap3A_163], %gather3A_158 {strides = array<i32>} : memref<32x1024xf32, #tpu.memory_space<vmem>>, vector<16xf32>,
      %add3A_165 = arith.constant 12 : i32
      %add3A_166 = vector.broadcast %add3A_165 : i32 to vector<16xi32>
      %add3A_167 = arith.addi %mul3A_46, %add3A_166 : vector<16xi32>
      %gather3A_168 = tpu.vector_load_idx %arg5[%add3A_167] : memref<32768xf32, #tpu.memory_space<vmem>>[vector<16xi32>], vector<16xf32>,
      %mul3A_169 = arith.constant 16 : i32
      %mul3A_170 = arith.muli %scan3A_40, %mul3A_169 : i32
      %swap3A_171 = arith.constant 12 : i32
      %swap3A_172 = arith.index_cast %swap3A_171 : i32 to index
      %swap3A_173 = arith.index_cast %mul3A_170 : i32 to index
      %swap3A_174 = tpu.vector_load %arg7[%swap3A_172, %swap3A_173] {strides = array<i32>} : memref<32x1024xf32, #tpu.memory_space<vmem>>, vector<16xf32>,
      tpu.vector_store %arg7[%swap3A_172, %swap3A_173], %gather3A_168 {strides = array<i32>} : memref<32x1024xf32, #tpu.memory_space<vmem>>, vector<16xf32>,
      %add3A_175 = arith.constant 13 : i32
      %add3A_176 = vector.broadcast %add3A_175 : i32 to vector<16xi32>
      %add3A_177 = arith.addi %mul3A_46, %add3A_176 : vector<16xi32>
      %gather3A_178 = tpu.vector_load_idx %arg5[%add3A_177] : memref<32768xf32, #tpu.memory_space<vmem>>[vector<16xi32>], vector<16xf32>,
      %mul3A_179 = arith.constant 16 : i32
      %mul3A_180 = arith.muli %scan3A_40, %mul3A_179 : i32
      %swap3A_181 = arith.constant 13 : i32
      %swap3A_182 = arith.index_cast %swap3A_181 : i32 to index
      %swap3A_183 = arith.index_cast %mul3A_180 : i32 to index
      %swap3A_184 = tpu.vector_load %arg7[%swap3A_182, %swap3A_183] {strides = array<i32>} : memref<32x1024xf32, #tpu.memory_space<vmem>>, vector<16xf32>,
      tpu.vector_store %arg7[%swap3A_182, %swap3A_183], %gather3A_178 {strides = array<i32>} : memref<32x1024xf32, #tpu.memory_space<vmem>>, vector<16xf32>,
      %add3A_185 = arith.constant 14 : i32
      %add3A_186 = vector.broadcast %add3A_185 : i32 to vector<16xi32>
      %add3A_187 = arith.addi %mul3A_46, %add3A_186 : vector<16xi32>
      %gather3A_188 = tpu.vector_load_idx %arg5[%add3A_187] : memref<32768xf32, #tpu.memory_space<vmem>>[vector<16xi32>], vector<16xf32>,
      %mul3A_189 = arith.constant 16 : i32
      %mul3A_190 = arith.muli %scan3A_40, %mul3A_189 : i32
      %swap3A_191 = arith.constant 14 : i32
      %swap3A_192 = arith.index_cast %swap3A_191 : i32 to index
      %swap3A_193 = arith.index_cast %mul3A_190 : i32 to index
      %swap3A_194 = tpu.vector_load %arg7[%swap3A_192, %swap3A_193] {strides = array<i32>} : memref<32x1024xf32, #tpu.memory_space<vmem>>, vector<16xf32>,
      tpu.vector_store %arg7[%swap3A_192, %swap3A_193], %gather3A_188 {strides = array<i32>} : memref<32x1024xf32, #tpu.memory_space<vmem>>, vector<16xf32>,
      %add3A_195 = arith.constant 15 : i32
      %add3A_196 = vector.broadcast %add3A_195 : i32 to vector<16xi32>
      %add3A_197 = arith.addi %mul3A_46, %add3A_196 : vector<16xi32>
      %gather3A_198 = tpu.vector_load_idx %arg5[%add3A_197] : memref<32768xf32, #tpu.memory_space<vmem>>[vector<16xi32>], vector<16xf32>,
      %mul3A_199 = arith.constant 16 : i32
      %mul3A_200 = arith.muli %scan3A_40, %mul3A_199 : i32
      %swap3A_201 = arith.constant 15 : i32
      %swap3A_202 = arith.index_cast %swap3A_201 : i32 to index
      %swap3A_203 = arith.index_cast %mul3A_200 : i32 to index
      %swap3A_204 = tpu.vector_load %arg7[%swap3A_202, %swap3A_203] {strides = array<i32>} : memref<32x1024xf32, #tpu.memory_space<vmem>>, vector<16xf32>,
      tpu.vector_store %arg7[%swap3A_202, %swap3A_203], %gather3A_198 {strides = array<i32>} : memref<32x1024xf32, #tpu.memory_space<vmem>>, vector<16xf32>,
      %add3A_205 = arith.constant 16 : i32
      %add3A_206 = vector.broadcast %add3A_205 : i32 to vector<16xi32>
      %add3A_207 = arith.addi %mul3A_46, %add3A_206 : vector<16xi32>
      %gather3A_208 = tpu.vector_load_idx %arg5[%add3A_207] : memref<32768xf32, #tpu.memory_space<vmem>>[vector<16xi32>], vector<16xf32>,
      %mul3A_209 = arith.constant 16 : i32
      %mul3A_210 = arith.muli %scan3A_40, %mul3A_209 : i32
      %swap3A_211 = arith.constant 16 : i32
      %swap3A_212 = arith.index_cast %swap3A_211 : i32 to index
      %swap3A_213 = arith.index_cast %mul3A_210 : i32 to index
      %swap3A_214 = tpu.vector_load %arg7[%swap3A_212, %swap3A_213] {strides = array<i32>} : memref<32x1024xf32, #tpu.memory_space<vmem>>, vector<16xf32>,
      tpu.vector_store %arg7[%swap3A_212, %swap3A_213], %gather3A_208 {strides = array<i32>} : memref<32x1024xf32, #tpu.memory_space<vmem>>, vector<16xf32>,
      %add3A_215 = arith.constant 17 : i32
      %add3A_216 = vector.broadcast %add3A_215 : i32 to vector<16xi32>
      %add3A_217 = arith.addi %mul3A_46, %add3A_216 : vector<16xi32>
      %gather3A_218 = tpu.vector_load_idx %arg5[%add3A_217] : memref<32768xf32, #tpu.memory_space<vmem>>[vector<16xi32>], vector<16xf32>,
      %mul3A_219 = arith.constant 16 : i32
      %mul3A_220 = arith.muli %scan3A_40, %mul3A_219 : i32
      %swap3A_221 = arith.constant 17 : i32
      %swap3A_222 = arith.index_cast %swap3A_221 : i32 to index
      %swap3A_223 = arith.index_cast %mul3A_220 : i32 to index
      %swap3A_224 = tpu.vector_load %arg7[%swap3A_222, %swap3A_223] {strides = array<i32>} : memref<32x1024xf32, #tpu.memory_space<vmem>>, vector<16xf32>,
      tpu.vector_store %arg7[%swap3A_222, %swap3A_223], %gather3A_218 {strides = array<i32>} : memref<32x1024xf32, #tpu.memory_space<vmem>>, vector<16xf32>,
      %add3A_225 = arith.constant 18 : i32
      %add3A_226 = vector.broadcast %add3A_225 : i32 to vector<16xi32>
      %add3A_227 = arith.addi %mul3A_46, %add3A_226 : vector<16xi32>
      %gather3A_228 = tpu.vector_load_idx %arg5[%add3A_227] : memref<32768xf32, #tpu.memory_space<vmem>>[vector<16xi32>], vector<16xf32>,
      %mul3A_229 = arith.constant 16 : i32
      %mul3A_230 = arith.muli %scan3A_40, %mul3A_229 : i32
      %swap3A_231 = arith.constant 18 : i32
      %swap3A_232 = arith.index_cast %swap3A_231 : i32 to index
      %swap3A_233 = arith.index_cast %mul3A_230 : i32 to index
      %swap3A_234 = tpu.vector_load %arg7[%swap3A_232, %swap3A_233] {strides = array<i32>} : memref<32x1024xf32, #tpu.memory_space<vmem>>, vector<16xf32>,
      tpu.vector_store %arg7[%swap3A_232, %swap3A_233], %gather3A_228 {strides = array<i32>} : memref<32x1024xf32, #tpu.memory_space<vmem>>, vector<16xf32>,
      %add3A_235 = arith.constant 19 : i32
      %add3A_236 = vector.broadcast %add3A_235 : i32 to vector<16xi32>
      %add3A_237 = arith.addi %mul3A_46, %add3A_236 : vector<16xi32>
      %gather3A_238 = tpu.vector_load_idx %arg5[%add3A_237] : memref<32768xf32, #tpu.memory_space<vmem>>[vector<16xi32>], vector<16xf32>,
      %mul3A_239 = arith.constant 16 : i32
      %mul3A_240 = arith.muli %scan3A_40, %mul3A_239 : i32
      %swap3A_241 = arith.constant 19 : i32
      %swap3A_242 = arith.index_cast %swap3A_241 : i32 to index
      %swap3A_243 = arith.index_cast %mul3A_240 : i32 to index
      %swap3A_244 = tpu.vector_load %arg7[%swap3A_242, %swap3A_243] {strides = array<i32>} : memref<32x1024xf32, #tpu.memory_space<vmem>>, vector<16xf32>,
      tpu.vector_store %arg7[%swap3A_242, %swap3A_243], %gather3A_238 {strides = array<i32>} : memref<32x1024xf32, #tpu.memory_space<vmem>>, vector<16xf32>,
      %add3A_245 = arith.constant 20 : i32
      %add3A_246 = vector.broadcast %add3A_245 : i32 to vector<16xi32>
      %add3A_247 = arith.addi %mul3A_46, %add3A_246 : vector<16xi32>
      %gather3A_248 = tpu.vector_load_idx %arg5[%add3A_247] : memref<32768xf32, #tpu.memory_space<vmem>>[vector<16xi32>], vector<16xf32>,
      %mul3A_249 = arith.constant 16 : i32
      %mul3A_250 = arith.muli %scan3A_40, %mul3A_249 : i32
      %swap3A_251 = arith.constant 20 : i32
      %swap3A_252 = arith.index_cast %swap3A_251 : i32 to index
      %swap3A_253 = arith.index_cast %mul3A_250 : i32 to index
      %swap3A_254 = tpu.vector_load %arg7[%swap3A_252, %swap3A_253] {strides = array<i32>} : memref<32x1024xf32, #tpu.memory_space<vmem>>, vector<16xf32>,
      tpu.vector_store %arg7[%swap3A_252, %swap3A_253], %gather3A_248 {strides = array<i32>} : memref<32x1024xf32, #tpu.memory_space<vmem>>, vector<16xf32>,
      %add3A_255 = arith.constant 21 : i32
      %add3A_256 = vector.broadcast %add3A_255 : i32 to vector<16xi32>
      %add3A_257 = arith.addi %mul3A_46, %add3A_256 : vector<16xi32>
      %gather3A_258 = tpu.vector_load_idx %arg5[%add3A_257] : memref<32768xf32, #tpu.memory_space<vmem>>[vector<16xi32>], vector<16xf32>,
      %mul3A_259 = arith.constant 16 : i32
      %mul3A_260 = arith.muli %scan3A_40, %mul3A_259 : i32
      %swap3A_261 = arith.constant 21 : i32
      %swap3A_262 = arith.index_cast %swap3A_261 : i32 to index
      %swap3A_263 = arith.index_cast %mul3A_260 : i32 to index
      %swap3A_264 = tpu.vector_load %arg7[%swap3A_262, %swap3A_263] {strides = array<i32>} : memref<32x1024xf32, #tpu.memory_space<vmem>>, vector<16xf32>,
      tpu.vector_store %arg7[%swap3A_262, %swap3A_263], %gather3A_258 {strides = array<i32>} : memref<32x1024xf32, #tpu.memory_space<vmem>>, vector<16xf32>,
      %add3A_265 = arith.constant 22 : i32
      %add3A_266 = vector.broadcast %add3A_265 : i32 to vector<16xi32>
      %add3A_267 = arith.addi %mul3A_46, %add3A_266 : vector<16xi32>
      %gather3A_268 = tpu.vector_load_idx %arg5[%add3A_267] : memref<32768xf32, #tpu.memory_space<vmem>>[vector<16xi32>], vector<16xf32>,
      %mul3A_269 = arith.constant 16 : i32
      %mul3A_270 = arith.muli %scan3A_40, %mul3A_269 : i32
      %swap3A_271 = arith.constant 22 : i32
      %swap3A_272 = arith.index_cast %swap3A_271 : i32 to index
      %swap3A_273 = arith.index_cast %mul3A_270 : i32 to index
      %swap3A_274 = tpu.vector_load %arg7[%swap3A_272, %swap3A_273] {strides = array<i32>} : memref<32x1024xf32, #tpu.memory_space<vmem>>, vector<16xf32>,
      tpu.vector_store %arg7[%swap3A_272, %swap3A_273], %gather3A_268 {strides = array<i32>} : memref<32x1024xf32, #tpu.memory_space<vmem>>, vector<16xf32>,
      %add3A_275 = arith.constant 23 : i32
      %add3A_276 = vector.broadcast %add3A_275 : i32 to vector<16xi32>
      %add3A_277 = arith.addi %mul3A_46, %add3A_276 : vector<16xi32>
      %gather3A_278 = tpu.vector_load_idx %arg5[%add3A_277] : memref<32768xf32, #tpu.memory_space<vmem>>[vector<16xi32>], vector<16xf32>,
      %mul3A_279 = arith.constant 16 : i32
      %mul3A_280 = arith.muli %scan3A_40, %mul3A_279 : i32
      %swap3A_281 = arith.constant 23 : i32
      %swap3A_282 = arith.index_cast %swap3A_281 : i32 to index
      %swap3A_283 = arith.index_cast %mul3A_280 : i32 to index
      %swap3A_284 = tpu.vector_load %arg7[%swap3A_282, %swap3A_283] {strides = array<i32>} : memref<32x1024xf32, #tpu.memory_space<vmem>>, vector<16xf32>,
      tpu.vector_store %arg7[%swap3A_282, %swap3A_283], %gather3A_278 {strides = array<i32>} : memref<32x1024xf32, #tpu.memory_space<vmem>>, vector<16xf32>,
      %add3A_285 = arith.constant 24 : i32
      %add3A_286 = vector.broadcast %add3A_285 : i32 to vector<16xi32>
      %add3A_287 = arith.addi %mul3A_46, %add3A_286 : vector<16xi32>
      %gather3A_288 = tpu.vector_load_idx %arg5[%add3A_287] : memref<32768xf32, #tpu.memory_space<vmem>>[vector<16xi32>], vector<16xf32>,
      %mul3A_289 = arith.constant 16 : i32
      %mul3A_290 = arith.muli %scan3A_40, %mul3A_289 : i32
      %swap3A_291 = arith.constant 24 : i32
      %swap3A_292 = arith.index_cast %swap3A_291 : i32 to index
      %swap3A_293 = arith.index_cast %mul3A_290 : i32 to index
      %swap3A_294 = tpu.vector_load %arg7[%swap3A_292, %swap3A_293] {strides = array<i32>} : memref<32x1024xf32, #tpu.memory_space<vmem>>, vector<16xf32>,
      tpu.vector_store %arg7[%swap3A_292, %swap3A_293], %gather3A_288 {strides = array<i32>} : memref<32x1024xf32, #tpu.memory_space<vmem>>, vector<16xf32>,
      %add3A_295 = arith.constant 25 : i32
      %add3A_296 = vector.broadcast %add3A_295 : i32 to vector<16xi32>
      %add3A_297 = arith.addi %mul3A_46, %add3A_296 : vector<16xi32>
      %gather3A_298 = tpu.vector_load_idx %arg5[%add3A_297] : memref<32768xf32, #tpu.memory_space<vmem>>[vector<16xi32>], vector<16xf32>,
      %mul3A_299 = arith.constant 16 : i32
      %mul3A_300 = arith.muli %scan3A_40, %mul3A_299 : i32
      %swap3A_301 = arith.constant 25 : i32
      %swap3A_302 = arith.index_cast %swap3A_301 : i32 to index
      %swap3A_303 = arith.index_cast %mul3A_300 : i32 to index
      %swap3A_304 = tpu.vector_load %arg7[%swap3A_302, %swap3A_303] {strides = array<i32>} : memref<32x1024xf32, #tpu.memory_space<vmem>>, vector<16xf32>,
      tpu.vector_store %arg7[%swap3A_302, %swap3A_303], %gather3A_298 {strides = array<i32>} : memref<32x1024xf32, #tpu.memory_space<vmem>>, vector<16xf32>,
      %add3A_305 = arith.constant 26 : i32
      %add3A_306 = vector.broadcast %add3A_305 : i32 to vector<16xi32>
      %add3A_307 = arith.addi %mul3A_46, %add3A_306 : vector<16xi32>
      %gather3A_308 = tpu.vector_load_idx %arg5[%add3A_307] : memref<32768xf32, #tpu.memory_space<vmem>>[vector<16xi32>], vector<16xf32>,
      %mul3A_309 = arith.constant 16 : i32
      %mul3A_310 = arith.muli %scan3A_40, %mul3A_309 : i32
      %swap3A_311 = arith.constant 26 : i32
      %swap3A_312 = arith.index_cast %swap3A_311 : i32 to index
      %swap3A_313 = arith.index_cast %mul3A_310 : i32 to index
      %swap3A_314 = tpu.vector_load %arg7[%swap3A_312, %swap3A_313] {strides = array<i32>} : memref<32x1024xf32, #tpu.memory_space<vmem>>, vector<16xf32>,
      tpu.vector_store %arg7[%swap3A_312, %swap3A_313], %gather3A_308 {strides = array<i32>} : memref<32x1024xf32, #tpu.memory_space<vmem>>, vector<16xf32>,
      %add3A_315 = arith.constant 27 : i32
      %add3A_316 = vector.broadcast %add3A_315 : i32 to vector<16xi32>
      %add3A_317 = arith.addi %mul3A_46, %add3A_316 : vector<16xi32>
      %gather3A_318 = tpu.vector_load_idx %arg5[%add3A_317] : memref<32768xf32, #tpu.memory_space<vmem>>[vector<16xi32>], vector<16xf32>,
      %mul3A_319 = arith.constant 16 : i32
      %mul3A_320 = arith.muli %scan3A_40, %mul3A_319 : i32
      %swap3A_321 = arith.constant 27 : i32
      %swap3A_322 = arith.index_cast %swap3A_321 : i32 to index
      %swap3A_323 = arith.index_cast %mul3A_320 : i32 to index
      %swap3A_324 = tpu.vector_load %arg7[%swap3A_322, %swap3A_323] {strides = array<i32>} : memref<32x1024xf32, #tpu.memory_space<vmem>>, vector<16xf32>,
      tpu.vector_store %arg7[%swap3A_322, %swap3A_323], %gather3A_318 {strides = array<i32>} : memref<32x1024xf32, #tpu.memory_space<vmem>>, vector<16xf32>,
      %add3A_325 = arith.constant 28 : i32
      %add3A_326 = vector.broadcast %add3A_325 : i32 to vector<16xi32>
      %add3A_327 = arith.addi %mul3A_46, %add3A_326 : vector<16xi32>
      %gather3A_328 = tpu.vector_load_idx %arg5[%add3A_327] : memref<32768xf32, #tpu.memory_space<vmem>>[vector<16xi32>], vector<16xf32>,
      %mul3A_329 = arith.constant 16 : i32
      %mul3A_330 = arith.muli %scan3A_40, %mul3A_329 : i32
      %swap3A_331 = arith.constant 28 : i32
      %swap3A_332 = arith.index_cast %swap3A_331 : i32 to index
      %swap3A_333 = arith.index_cast %mul3A_330 : i32 to index
      %swap3A_334 = tpu.vector_load %arg7[%swap3A_332, %swap3A_333] {strides = array<i32>} : memref<32x1024xf32, #tpu.memory_space<vmem>>, vector<16xf32>,
      tpu.vector_store %arg7[%swap3A_332, %swap3A_333], %gather3A_328 {strides = array<i32>} : memref<32x1024xf32, #tpu.memory_space<vmem>>, vector<16xf32>,
      %add3A_335 = arith.constant 29 : i32
      %add3A_336 = vector.broadcast %add3A_335 : i32 to vector<16xi32>
      %add3A_337 = arith.addi %mul3A_46, %add3A_336 : vector<16xi32>
      %gather3A_338 = tpu.vector_load_idx %arg5[%add3A_337] : memref<32768xf32, #tpu.memory_space<vmem>>[vector<16xi32>], vector<16xf32>,
      %mul3A_339 = arith.constant 16 : i32
      %mul3A_340 = arith.muli %scan3A_40, %mul3A_339 : i32
      %swap3A_341 = arith.constant 29 : i32
      %swap3A_342 = arith.index_cast %swap3A_341 : i32 to index
      %swap3A_343 = arith.index_cast %mul3A_340 : i32 to index
      %swap3A_344 = tpu.vector_load %arg7[%swap3A_342, %swap3A_343] {strides = array<i32>} : memref<32x1024xf32, #tpu.memory_space<vmem>>, vector<16xf32>,
      tpu.vector_store %arg7[%swap3A_342, %swap3A_343], %gather3A_338 {strides = array<i32>} : memref<32x1024xf32, #tpu.memory_space<vmem>>, vector<16xf32>,
      %add3A_345 = arith.constant 30 : i32
      %add3A_346 = vector.broadcast %add3A_345 : i32 to vector<16xi32>
      %add3A_347 = arith.addi %mul3A_46, %add3A_346 : vector<16xi32>
      %gather3A_348 = tpu.vector_load_idx %arg5[%add3A_347] : memref<32768xf32, #tpu.memory_space<vmem>>[vector<16xi32>], vector<16xf32>,
      %mul3A_349 = arith.constant 16 : i32
      %mul3A_350 = arith.muli %scan3A_40, %mul3A_349 : i32
      %swap3A_351 = arith.constant 30 : i32
      %swap3A_352 = arith.index_cast %swap3A_351 : i32 to index
      %swap3A_353 = arith.index_cast %mul3A_350 : i32 to index
      %swap3A_354 = tpu.vector_load %arg7[%swap3A_352, %swap3A_353] {strides = array<i32>} : memref<32x1024xf32, #tpu.memory_space<vmem>>, vector<16xf32>,
      tpu.vector_store %arg7[%swap3A_352, %swap3A_353], %gather3A_348 {strides = array<i32>} : memref<32x1024xf32, #tpu.memory_space<vmem>>, vector<16xf32>,
      %add3A_355 = arith.constant 31 : i32
      %add3A_356 = vector.broadcast %add3A_355 : i32 to vector<16xi32>
      %add3A_357 = arith.addi %mul3A_46, %add3A_356 : vector<16xi32>
      %gather3A_358 = tpu.vector_load_idx %arg5[%add3A_357] : memref<32768xf32, #tpu.memory_space<vmem>>[vector<16xi32>], vector<16xf32>,
      %mul3A_359 = arith.constant 16 : i32
      %mul3A_360 = arith.muli %scan3A_40, %mul3A_359 : i32
      %swap3A_361 = arith.constant 31 : i32
      %swap3A_362 = arith.index_cast %swap3A_361 : i32 to index
      %swap3A_363 = arith.index_cast %mul3A_360 : i32 to index
      %swap3A_364 = tpu.vector_load %arg7[%swap3A_362, %swap3A_363] {strides = array<i32>} : memref<32x1024xf32, #tpu.memory_space<vmem>>, vector<16xf32>,
      tpu.vector_store %arg7[%swap3A_362, %swap3A_363], %gather3A_358 {strides = array<i32>} : memref<32x1024xf32, #tpu.memory_space<vmem>>, vector<16xf32>,
    }
    %scan3A_7 = arith.constant 64 : i32
    %jit3A = arith.constant 4 : i32
    %div3A = arith.divsi %add3A, %jit3A : i32
    %sign3A = arith.constant 0 : i32
    %sign3A_8 = arith.cmpi sgt, %add3A, %sign3A : i32
    %sign3A_9 = arith.extui %sign3A_8 : i1 to i32
    %sign3A_10 = arith.constant 0 : i32
    %sign3A_11 = arith.cmpi slt, %add3A, %sign3A_10 : i32
    %sign3A_12 = arith.extui %sign3A_11 : i1 to i32
    %sign3A_13 = arith.subi %sign3A_9, %sign3A_12 : i32
    %sign3A_14 = arith.constant 0 : i32
    %sign3A_15 = arith.cmpi sgt, %jit3A, %sign3A_14 : i32
    %sign3A_16 = arith.extui %sign3A_15 : i1 to i32
    %sign3A_17 = arith.constant 0 : i32
    %sign3A_18 = arith.cmpi slt, %jit3A, %sign3A_17 : i32
    %sign3A_19 = arith.extui %sign3A_18 : i1 to i32
    %sign3A_20 = arith.subi %sign3A_16, %sign3A_19 : i32
    %ne3A = arith.cmpi ne, %sign3A_13, %sign3A_20 : i32
    %rem3A = arith.remsi %add3A, %jit3A : i32
    %ne3A_21 = arith.constant 0 : i32
    %ne3A_22 = arith.cmpi ne, %rem3A, %ne3A_21 : i32
    %and3A = arith.andi %ne3A, %ne3A_22 : i1
    %sub3A = arith.constant 1 : i32
    %sub3A_23 = arith.subi %div3A, %sub3A : i32
    %select_n3A = arith.select %and3A, %sub3A_23, %div3A : i32
    %jit3A_24 = arith.constant 4 : i32
    %eq3A = arith.constant 0 : i32
    %eq3A_25 = arith.cmpi eq, %jit3A_24, %eq3A : i32
    %jit3A_26 = arith.constant 1 : i32
    %select_n3A_27 = arith.select %eq3A_25, %jit3A_26, %jit3A_24 : i32
    %rem3A_28 = arith.remsi %add3A, %select_n3A_27 : i32
    %ne3A_29 = arith.constant 0 : i32
    %ne3A_30 = arith.cmpi ne, %rem3A_28, %ne3A_29 : i32
    %lt3A = arith.constant 0 : i32
    %lt3A_31 = arith.cmpi slt, %rem3A_28, %lt3A : i32
    %lt3A_32 = arith.constant 0 : i32
    %lt3A_33 = arith.cmpi slt, %select_n3A_27, %lt3A_32 : i32
    %ne3A_34 = arith.xori %lt3A_31, %lt3A_33 : i1
    %and3A_35 = arith.andi %ne3A_34, %ne3A_30 : i1
    %add3A_36 = arith.addi %rem3A_28, %select_n3A_27 : i32
    %select_n3A_37 = arith.select %and3A_35, %add3A_36, %rem3A_28 : i32
    %mul3A_38 = arith.constant 1024 : i32
    %mul3A_39 = arith.muli %select_n3A_37, %mul3A_38 : i32
    "tpu.region"() ({
      %run_scoped3A = tpu.sem_alloc : memref<!tpu.dma_semaphore, #tpu.memory_space<semaphore_mem>>
      %dma_start3A = arith.constant 0 : i32
      %dma_start3A_40 = tpu.memref_slice %arg4[%select_n3A, %dma_start3A, %mul3A_39] : memref<8x32x4096xf32, #tpu.memory_space<hbm>> -> memref<1x32x1024xf32, #tpu.memory_space<hbm>>
      %dma_start3A_41 = tpu.memref_squeeze %dma_start3A_40 : memref<1x32x1024xf32, #tpu.memory_space<hbm>> -> memref<32x1024xf32, #tpu.memory_space<hbm>>
      %dma_start3A_42 = arith.constant 0 : i32
      %dma_start3A_43 = tpu.memref_slice %arg4[%select_n3A, %dma_start3A_42, %mul3A_39] : memref<8x32x4096xf32, #tpu.memory_space<hbm>> -> memref<1x32x1024xf32, #tpu.memory_space<hbm>>
      %dma_start3A_44 = tpu.memref_squeeze %dma_start3A_43 : memref<1x32x1024xf32, #tpu.memory_space<hbm>> -> memref<32x1024xf32, #tpu.memory_space<hbm>>
      tpu.enqueue_dma source(%arg7 : memref<32x1024xf32, #tpu.memory_space<vmem>>) target(%dma_start3A_44 : memref<32x1024xf32, #tpu.memory_space<hbm>>) target_semaphore(%run_scoped3A : memref<!tpu.dma_semaphore, #tpu.memory_space<semaphore_mem>>)
      %dma_wait3A = arith.constant 0 : i32
      %dma_wait3A_45 = tpu.memref_slice %arg4[%select_n3A, %dma_wait3A, %mul3A_39] : memref<8x32x4096xf32, #tpu.memory_space<hbm>> -> memref<1x32x1024xf32, #tpu.memory_space<hbm>>
      %dma_wait3A_46 = tpu.memref_squeeze %dma_wait3A_45 : memref<1x32x1024xf32, #tpu.memory_space<hbm>> -> memref<32x1024xf32, #tpu.memory_space<hbm>>
      %dma_wait3A_47 = arith.constant 0 : i32
      %dma_wait3A_48 = tpu.memref_slice %arg4[%select_n3A, %dma_wait3A_47, %mul3A_39] : memref<8x32x4096xf32, #tpu.memory_space<hbm>> -> memref<1x32x1024xf32, #tpu.memory_space<hbm>>
      %dma_wait3A_49 = tpu.memref_squeeze %dma_wait3A_48 : memref<1x32x1024xf32, #tpu.memory_space<hbm>> -> memref<32x1024xf32, #tpu.memory_space<hbm>>
      tpu.wait_dma2 semaphore(%run_scoped3A : memref<!tpu.dma_semaphore, #tpu.memory_space<semaphore_mem>>) src(%arg7 : memref<32x1024xf32, #tpu.memory_space<vmem>>) dst(%dma_wait3A_49 : memref<32x1024xf32, #tpu.memory_space<hbm>>)
      tpu.yield
    }) : () -> ()
    return
  }
}

module attributes {stable_mosaic.version = 14 : i64} {
  func.func @_vq_block(%arg0: i32, %arg1: i32, %arg2: memref<1x32x2048xf32, #tpu.memory_space<vmem>>, %arg3: memref<1024x32xf32, #tpu.memory_space<vmem>>, %arg4: memref<1x1x2048xi32, #tpu.memory_space<vmem>>, %arg5: memref<1x1xf32, #tpu.memory_space<vmem>>) attributes {dimension_semantics = [#tpu.dimension_semantics<arbitrary>, #tpu.dimension_semantics<arbitrary>], iteration_bounds = array<i64: 8, 2>, scalar_prefetch = 0 : i64, scratch_operands = 0 : i64, tpu.core_type = #tpu.core_type<tc>, window_params = [{transform_indices = @transform_0, window_bounds = array<i64: 1, 32, 2048>}, {pipeline_mode = #tpu.pipeline_mode<synchronous>, transform_indices = @transform_1, window_bounds = array<i64: 1024, 32>}, {transform_indices = @transform_2, window_bounds = array<i64: 1, 1, 2048>}, {pipeline_mode = #tpu.pipeline_mode<synchronous>, transform_indices = @transform_3, window_bounds = array<i64: 1, 1>}]} {
    %get3A = arith.constant 0 : index
    %get3A_0 = arith.constant 0 : index
    %get3A_1 = arith.constant 0 : index
    %get3A_2 = vector.load %arg2[%get3A, %get3A_0, %get3A_1] : memref<1x32x2048xf32, #tpu.memory_space<vmem>>, vector<1x32x2048xf32>
    %get3A_3 = vector.shape_cast %get3A_2 : vector<1x32x2048xf32> to vector<32x2048xf32>
    %get3A_4 = arith.constant 0 : index
    %get3A_5 = arith.constant 0 : index
    %get3A_6 = vector.load %arg3[%get3A_4, %get3A_5] : memref<1024x32xf32, #tpu.memory_space<vmem>>, vector<1024x32xf32>
    %mul3A = arith.mulf %get3A_6, %get3A_6 : vector<1024x32xf32>
    %reduce_sum3A = arith.constant dense<0.000000e+00> : vector<1024xf32>
    %reduce_sum3A_7 = vector.multi_reduction <add>, %mul3A, %reduce_sum3A [1] : vector<1024x32xf32> to vector<1024xf32>
    %broadcast_in_dim3A = vector.shape_cast %reduce_sum3A_7 : vector<1024xf32> to vector<1024x1xf32>
    %mul3A_8 = arith.mulf %get3A_3, %get3A_3 : vector<32x2048xf32>
    %reduce_sum3A_9 = arith.constant dense<0.000000e+00> : vector<2048xf32>
    %reduce_sum3A_10 = vector.multi_reduction <add>, %mul3A_8, %reduce_sum3A_9 [0] : vector<32x2048xf32> to vector<2048xf32>
    %broadcast_in_dim3A_11 = vector.shape_cast %reduce_sum3A_10 : vector<2048xf32> to vector<1x2048xf32>
    %mul3A_12 = arith.constant -2.000000e+00 : f32
    %mul3A_13 = vector.broadcast %mul3A_12 : f32 to vector<1024x32xf32>
    %mul3A_14 = arith.mulf %get3A_6, %mul3A_13 : vector<1024x32xf32>
    %dot_general3A = arith.constant dense<0.000000e+00> : vector<1024x2048xf32>
    %dot_general3A_15 = tpu.matmul %mul3A_14, %get3A_3, %dot_general3A {dimension_numbers = #tpu.dot_dimension_numbers<[1], [0], [0], [1], [0, 0, 1, 1], [], []>, transpose_lhs_hint = false} : vector<1024x32xf32>, vector<32x2048xf32>, vector<1024x2048xf32> -> vector<1024x2048xf32>
    %add3A = vector.broadcast %broadcast_in_dim3A_11 : vector<1x2048xf32> to vector<1024x2048xf32>
    %add3A_16 = vector.broadcast %broadcast_in_dim3A : vector<1024x1xf32> to vector<1024x2048xf32>
    %add3A_17 = arith.addf %add3A, %add3A_16 : vector<1024x2048xf32>
    %add3A_18 = arith.addf %add3A_17, %dot_general3A_15 : vector<1024x2048xf32>
    %reduce_min3A = arith.constant dense<0x7F800000> : vector<2048xf32>
    %reduce_min3A_19 = vector.multi_reduction <minimumf>, %add3A_18, %reduce_min3A [0] : vector<1024x2048xf32> to vector<2048xf32>
    %iota3A = tpu.iota {dimensions = array<i32: 0>} : vector<1024x2048xi32>
    %convert_element_type3A = arith.sitofp %iota3A : vector<1024x2048xi32> to vector<1024x2048xf32>
    %broadcast_in_dim3A_20 = vector.shape_cast %reduce_min3A_19 : vector<2048xf32> to vector<1x2048xf32>
    %eq3A = vector.broadcast %broadcast_in_dim3A_20 : vector<1x2048xf32> to vector<1024x2048xf32>
    %eq3A_21 = arith.cmpf oeq, %add3A_18, %eq3A : vector<1024x2048xf32>
    %jit3A = arith.constant 1.024000e+03 : f32
    %broadcast_in_dim3A_22 = vector.broadcast %jit3A : f32 to vector<1024x2048xf32>
    %select_n3A = arith.select %eq3A_21, %convert_element_type3A, %broadcast_in_dim3A_22 : vector<1024x2048xi1>, vector<1024x2048xf32>
    %reduce_min3A_23 = arith.constant dense<0x7F800000> : vector<2048xf32>
    %reduce_min3A_24 = vector.multi_reduction <minimumf>, %select_n3A, %reduce_min3A_23 [0] : vector<1024x2048xf32> to vector<2048xf32>
    %convert_element_type3A_25 = arith.fptosi %reduce_min3A_24 : vector<2048xf32> to vector<2048xi32>
    %swap3A = arith.constant 0 : index
    %swap3A_26 = arith.constant 0 : index
    %swap3A_27 = arith.constant 0 : index
    %swap3A_28 = vector.load %arg4[%swap3A, %swap3A_26, %swap3A_27] : memref<1x1x2048xi32, #tpu.memory_space<vmem>>, vector<1x1x2048xi32>
    %swap3A_29 = vector.shape_cast %swap3A_28 : vector<1x1x2048xi32> to vector<2048xi32>
    %swap3A_30 = vector.shape_cast %convert_element_type3A_25 : vector<2048xi32> to vector<1x1x2048xi32>
    tpu.vector_store %arg4[%swap3A, %swap3A_26, %swap3A_27], %swap3A_30 {strides = array<i32>} : memref<1x1x2048xi32, #tpu.memory_space<vmem>>, vector<1x1x2048xi32>,
    %reduce_sum3A_31 = vector.shape_cast %reduce_min3A_19 : vector<2048xf32> to vector<1x2048xf32>
    %reduce_sum3A_32 = arith.constant dense<0.000000e+00> : vector<1xf32>
    %reduce_sum3A_33 = vector.multi_reduction <add>, %reduce_sum3A_31, %reduce_sum3A_32 [1] : vector<1x2048xf32> to vector<1xf32>
    %reduce_sum3A_34 = vector.shape_cast %reduce_sum3A_33 : vector<1xf32> to vector<1x1xf32>
    %reduce_sum3A_35 = vector.extract %reduce_sum3A_34[0, 0] : f32 from vector<1x1xf32>
    %reshape3A = vector.broadcast %reduce_sum3A_35 : f32 to vector<1x1xf32>
    %mul3A_36 = arith.constant 2 : i32
    %mul3A_37 = arith.muli %arg0, %mul3A_36 : i32
    %add3A_38 = arith.addi %mul3A_37, %arg1 : i32
    %eq3A_39 = arith.constant 0 : i32
    %eq3A_40 = arith.cmpi eq, %add3A_38, %eq3A_39 : i32
    %convert_element_type3A_41 = arith.extui %eq3A_40 : i1 to i32
    %cond3A = arith.constant 0 : i32
    %cond3A_42 = arith.cmpi ne, %convert_element_type3A_41, %cond3A : i32
    scf.if %cond3A_42 {
      %swap3A_47 = arith.constant 0 : index
      %swap3A_48 = arith.constant 0 : index
      %swap3A_49 = vector.load %arg5[%swap3A_47, %swap3A_48] : memref<1x1xf32, #tpu.memory_space<vmem>>, vector<1x1xf32>
      tpu.vector_store %arg5[%swap3A_47, %swap3A_48], %reshape3A {strides = array<i32>} : memref<1x1xf32, #tpu.memory_space<vmem>>, vector<1x1xf32>,
    } else {
    }
    %ne3A = arith.constant 0 : i32
    %ne3A_43 = arith.cmpi ne, %add3A_38, %ne3A : i32
    %convert_element_type3A_44 = arith.extui %ne3A_43 : i1 to i32
    %cond3A_45 = arith.constant 0 : i32
    %cond3A_46 = arith.cmpi ne, %convert_element_type3A_44, %cond3A_45 : i32
    scf.if %cond3A_46 {
      %get3A_47 = arith.constant 0 : index
      %get3A_48 = arith.constant 0 : index
      %get3A_49 = vector.load %arg5[%get3A_47, %get3A_48] : memref<1x1xf32, #tpu.memory_space<vmem>>, vector<1x1xf32>
      %add3A_50 = arith.addf %get3A_49, %reshape3A : vector<1x1xf32>
      %swap3A_51 = arith.constant 0 : index
      %swap3A_52 = arith.constant 0 : index
      %swap3A_53 = vector.load %arg5[%swap3A_51, %swap3A_52] : memref<1x1xf32, #tpu.memory_space<vmem>>, vector<1x1xf32>
      tpu.vector_store %arg5[%swap3A_51, %swap3A_52], %add3A_50 {strides = array<i32>} : memref<1x1xf32, #tpu.memory_space<vmem>>, vector<1x1xf32>,
    } else {
    }
    return
  }
  func.func @transform_0(%arg0: i32, %arg1: i32) -> (i32, i32, i32) {
    %c0_i32 = arith.constant 0 : i32
    %c0_i32_0 = arith.constant 0 : i32
    return %arg0, %c0_i32, %arg1 : i32, i32, i32
  }
  func.func @transform_1(%arg0: i32, %arg1: i32) -> (i32, i32) {
    %c0_i32 = arith.constant 0 : i32
    %c0_i32_0 = arith.constant 0 : i32
    %c0_i32_1 = arith.constant 0 : i32
    return %c0_i32, %c0_i32_0 : i32, i32
  }
  func.func @transform_2(%arg0: i32, %arg1: i32) -> (i32, i32, i32) {
    %mul3A = arith.constant 2 : i32
    %mul3A_0 = arith.muli %arg0, %mul3A : i32
    %add3A = arith.addi %mul3A_0, %arg1 : i32
    %c0_i32 = arith.constant 0 : i32
    %c0_i32_1 = arith.constant 0 : i32
    %c0_i32_2 = arith.constant 0 : i32
    return %add3A, %c0_i32, %c0_i32_1 : i32, i32, i32
  }
  func.func @transform_3(%arg0: i32, %arg1: i32) -> (i32, i32) {
    %c0_i32 = arith.constant 0 : i32
    %c0_i32_0 = arith.constant 0 : i32
    %c0_i32_1 = arith.constant 0 : i32
    return %c0_i32, %c0_i32_0 : i32, i32
  }
}

</mosaic_0001>

<sc_bundles>
// kernel: _vq.4.cloned.1.call-start
scs
__scs_entry_jumppad:
0x0: {  	(pc) =	sbr.rel $0x88, $3  }
0x1: {  	(tag) =	ssettag $0x0;
	lr =	simm.s32 $0x1  }
0x2: {  	[smem:$0x3F9F] =	sst lr;
	_ =	strace $0xD0000000  }
0x3: {  	_ = 	snop  }
0x4: {  	_ = 	snop  }
0x5: {  	_ = 	snop  }
0x6: {  	_ = 	snop  }
0x7: {  	_ = 	snop  }
__scs_overlays_trampoline_lowered:
0x8: {  	[smem:$0x3FAE] =	sst s0  }
0x9: {  	[smem:$0x3FAF] =	sst s1  }
0xa: {  	[smem:$0x3FB0] =	sst s2  }
0xb: {  	[smem:$0x3FB1] =	sst s3  }
0xc: {  	[smem:$0x3FB2] =	sst s4  }
0xd: {  	[smem:$0x3FB3] =	sst s5  }
0xe: {  	[smem:$0x3FB4] =	sst s6  }
0xf: {  	[smem:$0x3FB5] =	sst s7  }
0x10: {  	[smem:$0x3FB6] =	sst s8  }
0x11: {  	[smem:$0x3FB7] =	sst s9;
	s0 =	simm.s32 @!p0 $0x0  }
0x12: {  	s1 =	sld [smem:$0x3F9D];
	s0 =	simm.s32 @p0 $0x1  }
0x13: {  	[smem:$0x3FB8] =	sst s0;
	s0 =	simm.s32 @!p1 $0x0  }
0x14: {  	s2 =	sld [smem:$0x3F9C];
	s0 =	simm.s32 @p1 $0x1  }
0x15: {  	[smem:$0x3FB9] =	sst s0;
	s0 =	simm.s32 @!p2 $0x0  }
0x16: {  	s3 =	sld [smem:$0x3FDB];
	s0 =	simm.s32 @p2 $0x1  }
0x17: {  	s4 =	simm.s32 $0x1BF5;
	[smem:$0x3FBB] =	sst s0  }
0x18: {  	s0 =	sld [smem:$0x3F9E];
	_ =	swait.ge [sflag:s4], $0x0  }
0x19: {  	s7 =	sld [smem:$0x3F9F]  }
0x1a: {  	s8 =	sadd.s32 $0xFFFFE003, lr  }
0x1b: {  	s9 =	sadd.s32 $0xFFFFFEF7, lr;
	s5 =	simm.s32 $0xFFFFFFFF;
	p2 =	slt.u32 s8, $0xFFFFF086  }
0x1c: {  	p1 =	slt.u32 s9, $0xF7A;
	s5 =	simm.s32 @!p2 $0x0  }
0x1d: {  	s5 =	simm.s32 @p1 $0x1;
	p0 =	seq.s32 s7, s2  }
0x1e: {  	s7 =	smul.u32 @!p0 $0xF7A, s2;
	p2 =	seq.s32 @!p0 s5, $0x0  }
0x1f: {  	s9 =	smul.u32 $0xF7A, s1;
	s8 =	simm.s32 @!p0 $0x1BF5;
	p2 =	por !p2, p0  }
0x20: {  	[sflag:s8] =	ssyncset.s32 @!p0 $0xFFFFF086;
	s6 =	sadd.s32 @!p0 s3, s7;
	s7 =	simm.s32 @!p0 $0x108  }
0x21: {  	s3 =	sadd.s32 s3, s9;
	s6 =	sadd.s32 @!p0 $0x88, s6;
	s7 =	simm.s32 @p2 $0x1082  }
0x22: {  	[simem:s7], [sflag:s8] =	dma.local @!p0 [hbm:s6], $0xF7A  }
0x23: {  	s9 =	sor.u32 $0xD0000000, s2;
	s6 =	simm.s32 $0x108;
	_ =	swait.ge @!p0 [sflag:s8], $0x0  }
0x24: {  	s3 =	sadd.s32 $0x88, s3;
	s6 =	simm.s32 @!p1 $0x1082;
	[sflag:s4] =	ssyncset.s32 $0xFFFFF086  }
0x25: {  	[simem:s6], [sflag:s4] =	dma.local [hbm:s3], $0xF7A  }
0x26: {  	[smem:$0x3F9F] =	sst s1;
	(tag) =	ssettag s2;
	_ =	strace s9  }
0x27: {  	s1 =	sld [smem:$0x3FAF]  }
0x28: {  	s2 =	sld [smem:$0x3FB0]  }
0x29: {  	s4 =	sld [smem:$0x3FB2]  }
0x2a: {  	p0 =	seq.s32 s5, $0x0;
	s5 =	sld [smem:$0x3FB3]  }
0x2b: {  	s6 =	sld [smem:$0x3FB4]  }
0x2c: {  	s7 =	sld [smem:$0x3FB5]  }
0x2d: {  	s3 =	simm.s32 $0x108;
	s8 =	sld [smem:$0x3FB6]  }
0x2e: {  	s3 =	simm.s32 @!p0 $0x1082;
	s9 =	sld [smem:$0x3FB7]  }
0x2f: {  	lr =	sadd.s32 s0, s3;
	s0 =	sld [smem:$0x3FAE]  }
0x30: {  	s3 =	sld [smem:$0x3FB1]  }
0x31: {  	[smem:$0x3FBA] =	sst s10  }
0x32: {  	s10 =	sld [smem:$0x3FB8];
	_ =	sdelay $0x3  }
0x33: {  	p0 =	seq.s32 s10, $0x1;
	s10 =	sld [smem:$0x3FBA];
	_ =	sdelay $0x3  }
0x34: {  	[smem:$0x3FBA] =	sst s10  }
0x35: {  	s10 =	sld [smem:$0x3FB9];
	_ =	sdelay $0x3  }
0x36: {  	p1 =	seq.s32 s10, $0x1;
	s10 =	sld [smem:$0x3FBA];
	_ =	sdelay $0x3  }
0x37: {  	[smem:$0x3FBA] =	sst s10  }
0x38: {  	s10 =	sld [smem:$0x3FBB]  }
0x39: {  	_ = 	snop;
	(pc) =	sbr.ind lr, $3  }
0x3a: {  	_ = 	snop  }
0x3b: {  	_ = 	snop  }
0x3c: {  	p2 =	seq.s32 s10, $0x1;
	s10 =	sld [smem:$0x3FBA]  }
0x3d: {  	_ =	shalt  }
0x3e: {  	_ =	shalt  }
0x3f: {  	_ =	shalt  }
0x40: {  	_ =	shalt  }
0x41: {  	_ =	shalt  }
0x42: {  	_ =	shalt  }
0x43: {  	_ =	shalt  }
0x44: {  	_ =	shalt  }
0x45: {  	_ =	shalt  }
0x46: {  	_ =	shalt  }
0x47: {  	_ =	shalt  }
0x48: {  	_ =	shalt  }
0x49: {  	_ =	shalt  }
0x4a: {  	_ =	shalt  }
0x4b: {  	_ =	shalt  }
0x4c: {  	_ =	shalt  }
0x4d: {  	_ =	shalt  }
0x4e: {  	_ =	shalt  }
0x4f: {  	_ =	shalt  }
0x50: {  	_ =	shalt  }
0x51: {  	_ =	shalt  }
0x52: {  	_ =	shalt  }
0x53: {  	_ =	shalt  }
0x54: {  	_ =	shalt  }
0x55: {  	_ =	shalt  }
0x56: {  	_ =	shalt  }
0x57: {  	_ =	shalt  }
0x58: {  	_ =	shalt  }
0x59: {  	_ =	shalt  }
0x5a: {  	_ =	shalt  }
0x5b: {  	_ =	shalt  }
0x5c: {  	_ =	shalt  }
0x5d: {  	_ =	shalt  }
0x5e: {  	_ =	shalt  }
0x5f: {  	_ =	shalt  }
0x60: {  	_ =	shalt  }
0x61: {  	_ =	shalt  }
0x62: {  	_ =	shalt  }
0x63: {  	_ =	shalt  }
0x64: {  	_ =	shalt  }
0x65: {  	_ =	shalt  }
0x66: {  	_ =	shalt  }
0x67: {  	_ =	shalt  }
0x68: {  	_ =	shalt  }
0x69: {  	_ =	shalt  }
0x6a: {  	_ =	shalt  }
0x6b: {  	_ =	shalt  }
0x6c: {  	_ =	shalt  }
0x6d: {  	_ =	shalt  }
0x6e: {  	_ =	shalt  }
0x6f: {  	_ =	shalt  }
0x70: {  	_ =	shalt  }
0x71: {  	_ =	shalt  }
0x72: {  	_ =	shalt  }
0x73: {  	_ =	shalt  }
0x74: {  	_ =	shalt  }
0x75: {  	_ =	shalt  }
0x76: {  	_ =	shalt  }
0x77: {  	_ =	shalt  }
0x78: {  	_ =	shalt  }
0x79: {  	_ =	shalt  }
0x7a: {  	_ =	shalt  }
0x7b: {  	_ =	shalt  }
0x7c: {  	_ =	shalt  }
0x7d: {  	_ =	shalt  }
0x7e: {  	_ =	shalt  }
0x7f: {  	_ =	shalt  }
0x80: {  	_ =	shalt  }
0x81: {  	_ =	shalt  }
0x82: {  	_ =	shalt  }
0x83: {  	_ =	shalt  }
0x84: {  	_ =	shalt  }
0x85: {  	_ =	shalt  }
0x86: {  	_ =	shalt  }
0x87: {  	_ =	shalt  }
.Lfunc_end0:
.L_simem_size_0:
called_computation_lowered:
.L_overlay_start_0:
0x88: {  	s2 =	sld [smem:$0x3FD9]  }
0x89: {  	s3 =	sld [smem:$0x3FFE];
	_ =	sdelay $0x1  }
0x8a: {  	s1 =	srdreg.scid  }
0x8b: {  	s0 =	sand.u32 $0x1, s1  }
0x8c: {  	s14 =	sshll.u32 s0, $0xA;
	s2 =	sadd.s32 s3, s2  }
0x8d: {  	s2 =	sadd.s32 s2, s14  }
0x8e: {  	[smem:$0x3FC6] =	sst s2  }
0x8f: {  	_ = 	snop  }
0x90: {  	s2 =	sld [smem:$0x3FD0];
	_ =	sdelay $0x2  }
0x91: {  	s15 =	simm.s32 $0xA;
	s4 =	simm.s32 $0x10  }
0x92: {  	[smem:s4], [sflag:s15] =	dma.local [hbm:s2], $0x1  }
0x93: {  	_ =	swait.eq [sflag:s15], $0x1  }
0x94: {  	[sflag:s15] =	ssyncset.done $0x0  }
0x95: {  	s16 =	sld [smem:$0x10];
	[sflag:s15] =	ssyncadd.s32 $0xFFFFFFFF  }
0x96: {  	s17 =	sld [smem:$0x14];
	(tm) =	ssettm $0x1  }
0x97: {  	s18 =	sld [smem:$0x3FFB];
	_ =	sdelay $0x3  }
0x98: {  	_ =	strace s18  }
0x99: {  	s4 =	sld [smem:$0x3FFC];
	_ =	sdelay $0x3  }
0x9a: {  	_ =	strace s4  }
0x9b: {  	s4 =	sld [smem:$0x3FFD];
	_ =	sdelay $0x3  }
0x9c: {  	_ =	strace s4  }
0x9d: {  	_ =	strace $0x8FFFFFFF  }
0x9e: {  	s19 =	sld [smem:$0x3FDB];
	_ =	sdelay $0x1  }
0x9f: {  	s5 =	simm.s32 $_scs_section_size  }
0xa0: {  	s6 =	simm.s32 $_size__tile_overlayer_lowered;
	s7 =	simm.s32 $_tile_overlayer_lowered  }
0xa1: {  	s22 =	simm.s32 $0x1BFF;
	s21 =	sshll.u32 s7, $0x1;
	s4 =	sadd.s32 s5, s19  }
0xa2: {  	s8 =	simm.s32 $0x0;
	s20 =	sshll.u32 s6, $0x1;
	s6 =	sadd.s32 s21, s4  }
0xa3: {  	[timem:s8], [sflag:s22] =	dma.local [hbm:s6], s20  }
0xa4: {  	_ =	swait.ge [sflag:s22], s20  }
0xa5: {  	s5 =	ssub.s32 $0x0, s20;
	[sflag:s22] =	ssyncset.done $0x0  }
0xa6: {  	[sflag:s22] =	ssyncadd.s32 s5;
	_ =	sdelay $0x1  }
0xa7: {  	s23 =	simm.s32 $0x1B8B  }
0xa8: {  	_ =	swait.ge [sflag:s23], $0x1  }
0xa9: {  	[sflag:s23] =	ssyncset.done $0x0  }
0xaa: {  	s25 =	simm.s32 $0x1B8E;
	s24 =	sld [smem:$0x3FFE];
	[sflag:s23] =	ssyncadd.s32 $0xFFFFFFFF  }
0xab: {  	s26 =	simm.s32 $execute0_lowered;
	[smem:$0x3FD2] =	sst s25  }
0xac: {  	s6 =	sshll.u32 s26, $0x1;
	_ =	strace $0x80000046;
	[dreg:$0x1] =	wrdreg $0xFFFFFFFF  }
0xad: {  	s28 =	simm.s32 $_size_execute0_lowered;
	s4 =	sadd.s32 s4, s6;
	[dreg:$0x0] =	wrdreg $0x0  }
0xae: {  	s6 =	sshll.u32 s28, $0x1;
	[dreg:$0x2] =	wrdreg s4  }
0xaf: {  	[dreg:$0x3] =	wrdreg s6  }
0xb0: {  	[dreg:$0x4] =	wrdreg $0xC0  }
0xb1: {  	_ =	task [dreg:s8], $0x5FFFF  }
0xb2: {  	[dreg:$0x1] =	wrdreg $0xFFFFFFFF  }
0xb3: {  	[dreg:$0x0] =	wrdreg $0x60  }
0xb4: {  	[dreg:$0x2] =	wrdreg s24  }
0xb5: {  	[dreg:$0x3] =	wrdreg s17  }
0xb6: {  	[dreg:$0x4] =	wrdreg s16  }
0xb7: {  	[dreg:$0x5] =	wrdreg $0x9  }
0xb8: {  	_ =	task.clear_ibuf [dreg:s8], $0x6FFFF;
	_ =	strace $0x90000046  }
0xb9: {  	s29 =	simm.s32 $0x9;
	_ =	strace $0x80000048  }
0xba: {  	_ =	swait.ge [sflag:s29], $0x1  }
0xbb: {  	[sflag:s29] =	ssyncadd.s32 $0xFFFFFFFF  }
0xbc: {  	_ =	strace $0x90000048  }
0xbd: {  	_ =	sfence  }
0xbe: {  	s30 =	sld [smem:$0x0];
	_ =	sdelay $0x2  }
0xbf: {  	s31 =	sshll.u32 s1, $0xD;
	s1 =	sshrl.u32 s1, $0x2  }
0xc0: {  	s3 =	sand.u32 $0x4000, s31;
	s1 =	sadd.s32 s1, s30  }
0xc1: {  	s0 =	sor.u32 s3, s0;
	s1 =	sshll.u32 s1, $0x11  }
0xc2: {  	s0 =	sor.u32 s1, s0  }
0xc3: {  	s0 =	sadd.s32 $0x8F2B, s0  }
0xc4: {  	[sflag:s0] =	ssyncadd.remote.s32 $0x1  }
0xc5: {  	_ =	sfence.sel $0xFFFF  }
0xc6: {  	[dreg:$0x0] =	wrdreg $0xFFFFFFFF;
	(pc) =	sbr.abs _section_cstart, $3  }
0xc7: {  	[dreg:$0x1] =	wrdreg $0xFFFFFFFF  }
0xc8: {  	_ =	task.clear_ibuf [dreg:s8], $0x2FFFF;
	_ =	strace $0x9FFFFFFF  }
0xc9: {  	(tm) =	ssettm $0x7FFFFFFF  }
tec
execute0_lowered:
.L_overlay_start_1:
0x0: {  	(tag) =	ssettag $0x1  }
0x1: {  	s3 =	rddreg [dreg:$0x0]  }
0x2: {  	s4 =	rddreg [dreg:$0x1]  }
0x3: {  	s5 =	rddreg [dreg:$0x2]  }
0x4: {  	s0 =	rddreg [dreg:$0x3];
	s2 =	simm.s32 $0x0;
	s6 =	srdreg.scid  }
0x5: {  	s1 =	stileid.u32;
	s11 =	simm.s32 $0x0;
	[smem:$0x7FF] =	sst s2  }
0x6: {  	s3 =	sadd.s32 $0xE00, s3;
	s6 =	sand.u32 $0x1, s6;
	s7 =	sshll.u32 s1, $0x1  }
0x7: {  	s30 =	sshll.u32 s1, $0xD;
	_ =	strace $0x80000047;
	s8 =	ssub.s32 $0x2, s6  }
0x8: {  	s6 =	sor.u32 s6, s7;
	s7 =	sand.u32 $0x1C000, s30;
	s9 =	sshrl.u32 s8, $0x1  }
0x9: {  	s10 =	sshll.u32 s6, $0xA;
	s6 =	sshll.u32 s6, $0x7;
	s5 =	sadd.s32 s5, s7  }
0xa: {  	s7 =	simm.s32 $0x1;
	s10 =	sand.u32 $0xC00, s10;
	s31 =	ssub.s32 s8, s9  }
0xb: {  	s4 =	sadd.s32 s4, s6;
	s8 =	simm.s32 $0x2000;
	s9 =	simm.s32 $0x8000  }
0xc: {  	s5 =	sadd.s32 s10, s5;
	s6 =	smax.u32 s31, $0x1;
	s10 =	simm.s32 $0x8400  }
.LBB2_1:
0xd: {  	[tilespmem:s2], [sflag:$0x1] =	stream.linear.gather [hbm4b:s3+s2], $0x8000, $0x38;
	[tilespmem:$0x10400] =	vst v63  }
0xe: {  	_ =	swait.ge [sflag:s7], $0x8000  }
0xf: {  	[sflag:s7] =	ssyncset.done $0x0  }
0x10: {  	[sflag:s7] =	ssyncadd.s32 $0xFFFF8000  }
0x11: {  	[tilespmem:s9], [sflag:$0x1] =	stream.linear.gather [hbm4b:s4+s2], $0x400, $0x38;
	[tilespmem:$0x10400] =	vst v63  }
0x12: {  	_ =	swait.ge [sflag:s7], $0x400  }
0x13: {  	[sflag:s7] =	ssyncset.done $0x0  }
0x14: {  	[sflag:s7] =	ssyncadd.s32 $0xFFFFFC00  }
0x15: {  	v0 =	vld [tilespmem:s9+$0x0];
	_ =	sdelay $0x4  }
0x16: {  	v0 =	vshll.u32 v0, $0x5;
	_ =	sdelay $0x4  }
0x17: {  	v1 =	vld.idx.msk [tilespmem:v0+s2+$0x0], $0xffff  }
0x18: {  	v2 =	vor.u32 $0x1, v0;
	_ =	sdelay $0x1  }
0x19: {  	s12 =	sand.u32 $0x70, s2;
	s13 =	sand.u32 $0x1C00, s2  }
0x1a: {  	s12 =	sor.u32 s12, s13  }
0x1b: {  	[tilespmem:s12+$0x8400] =	vst v1  }
0x1c: {  	v1 =	vld.idx.msk [tilespmem:v2+s2+$0x0], $0xffff  }
0x1d: {  	v2 =	vor.u32 $0x2, v0;
	_ =	sdelay $0x3  }
0x1e: {  	[tilespmem:s12+$0x8480] =	vst v1  }
0x1f: {  	v1 =	vld.idx.msk [tilespmem:v2+s2+$0x0], $0xffff  }
0x20: {  	v2 =	vor.u32 $0x3, v0;
	_ =	sdelay $0x3  }
0x21: {  	[tilespmem:s12+$0x8500] =	vst v1  }
0x22: {  	v1 =	vld.idx.msk [tilespmem:v2+s2+$0x0], $0xffff  }
0x23: {  	v2 =	vor.u32 $0x4, v0;
	_ =	sdelay $0x3  }
0x24: {  	[tilespmem:s12+$0x8580] =	vst v1  }
0x25: {  	v1 =	vld.idx.msk [tilespmem:v2+s2+$0x0], $0xffff  }
0x26: {  	v2 =	vor.u32 $0x5, v0;
	_ =	sdelay $0x3  }
0x27: {  	[tilespmem:s12+$0x8600] =	vst v1  }
0x28: {  	v1 =	vld.idx.msk [tilespmem:v2+s2+$0x0], $0xffff  }
0x29: {  	v2 =	vor.u32 $0x6, v0;
	_ =	sdelay $0x3  }
0x2a: {  	[tilespmem:s12+$0x8680] =	vst v1  }
0x2b: {  	v1 =	vld.idx.msk [tilespmem:v2+s2+$0x0], $0xffff  }
0x2c: {  	v2 =	vor.u32 $0x7, v0;
	_ =	sdelay $0x3  }
0x2d: {  	[tilespmem:s12+$0x8700] =	vst v1  }
0x2e: {  	v1 =	vld.idx.msk [tilespmem:v2+s2+$0x0], $0xffff  }
0x2f: {  	v2 =	vor.u32 $0x8, v0;
	_ =	sdelay $0x1  }
0x30: {  	s31 =	sor.u32 s2, s2  }
0x31: {  	s13 =	sor.u32 $0x380, s31  }
0x32: {  	[tilespmem:s13+$0x8400] =	vst v1  }
0x33: {  	v1 =	vld.idx.msk [tilespmem:v2+s2+$0x0], $0xffff  }
0x34: {  	v2 =	vor.u32 $0x9, v0;
	_ =	sdelay $0x3  }
0x35: {  	[tilespmem:s12+$0xA400] =	vst v1  }
0x36: {  	v1 =	vld.idx.msk [tilespmem:v2+s2+$0x0], $0xffff  }
0x37: {  	v2 =	vor.u32 $0xA, v0;
	_ =	sdelay $0x3  }
0x38: {  	[tilespmem:s12+$0xA480] =	vst v1  }
0x39: {  	v1 =	vld.idx.msk [tilespmem:v2+s2+$0x0], $0xffff  }
0x3a: {  	v2 =	vor.u32 $0xB, v0;
	_ =	sdelay $0x3  }
0x3b: {  	[tilespmem:s12+$0xA500] =	vst v1  }
0x3c: {  	v1 =	vld.idx.msk [tilespmem:v2+s2+$0x0], $0xffff  }
0x3d: {  	v2 =	vor.u32 $0xC, v0;
	_ =	sdelay $0x3  }
0x3e: {  	[tilespmem:s12+$0xA580] =	vst v1  }
0x3f: {  	v1 =	vld.idx.msk [tilespmem:v2+s2+$0x0], $0xffff  }
0x40: {  	v2 =	vor.u32 $0xD, v0;
	_ =	sdelay $0x3  }
0x41: {  	[tilespmem:s12+$0xA600] =	vst v1  }
0x42: {  	v1 =	vld.idx.msk [tilespmem:v2+s2+$0x0], $0xffff  }
0x43: {  	v2 =	vor.u32 $0xE, v0;
	_ =	sdelay $0x3  }
0x44: {  	[tilespmem:s12+$0xA680] =	vst v1  }
0x45: {  	v1 =	vld.idx.msk [tilespmem:v2+s2+$0x0], $0xffff  }
0x46: {  	v2 =	vor.u32 $0xF, v0;
	_ =	sdelay $0x3  }
0x47: {  	[tilespmem:s12+$0xA700] =	vst v1  }
0x48: {  	v1 =	vld.idx.msk [tilespmem:v2+s2+$0x0], $0xffff  }
0x49: {  	v2 =	vor.u32 $0x10, v0;
	_ =	sdelay $0x3  }
0x4a: {  	[tilespmem:s12+$0xA780] =	vst v1  }
0x4b: {  	v1 =	vld.idx.msk [tilespmem:v2+s2+$0x0], $0xffff  }
0x4c: {  	v2 =	vor.u32 $0x11, v0;
	_ =	sdelay $0x3  }
0x4d: {  	[tilespmem:s12+$0xC400] =	vst v1  }
0x4e: {  	v1 =	vld.idx.msk [tilespmem:v2+s2+$0x0], $0xffff  }
0x4f: {  	v2 =	vor.u32 $0x12, v0;
	_ =	sdelay $0x3  }
0x50: {  	[tilespmem:s12+$0xC480] =	vst v1  }
0x51: {  	v1 =	vld.idx.msk [tilespmem:v2+s2+$0x0], $0xffff  }
0x52: {  	v2 =	vor.u32 $0x13, v0;
	_ =	sdelay $0x3  }
0x53: {  	[tilespmem:s12+$0xC500] =	vst v1  }
0x54: {  	v1 =	vld.idx.msk [tilespmem:v2+s2+$0x0], $0xffff  }
0x55: {  	v2 =	vor.u32 $0x14, v0;
	_ =	sdelay $0x3  }
0x56: {  	[tilespmem:s12+$0xC580] =	vst v1  }
0x57: {  	v1 =	vld.idx.msk [tilespmem:v2+s2+$0x0], $0xffff  }
0x58: {  	v2 =	vor.u32 $0x15, v0;
	_ =	sdelay $0x3  }
0x59: {  	[tilespmem:s12+$0xC600] =	vst v1  }
0x5a: {  	v1 =	vld.idx.msk [tilespmem:v2+s2+$0x0], $0xffff  }
0x5b: {  	v2 =	vor.u32 $0x16, v0;
	_ =	sdelay $0x3  }
0x5c: {  	[tilespmem:s12+$0xC680] =	vst v1  }
0x5d: {  	v1 =	vld.idx.msk [tilespmem:v2+s2+$0x0], $0xffff  }
0x5e: {  	v2 =	vor.u32 $0x17, v0;
	_ =	sdelay $0x3  }
0x5f: {  	[tilespmem:s12+$0xC700] =	vst v1  }
0x60: {  	v1 =	vld.idx.msk [tilespmem:v2+s2+$0x0], $0xffff  }
0x61: {  	v2 =	vor.u32 $0x18, v0;
	_ =	sdelay $0x3  }
0x62: {  	[tilespmem:s12+$0xC780] =	vst v1  }
0x63: {  	v1 =	vld.idx.msk [tilespmem:v2+s2+$0x0], $0xffff  }
0x64: {  	v2 =	vor.u32 $0x19, v0;
	_ =	sdelay $0x3  }
0x65: {  	[tilespmem:s12+$0xE400] =	vst v1  }
0x66: {  	v1 =	vld.idx.msk [tilespmem:v2+s2+$0x0], $0xffff  }
0x67: {  	v2 =	vor.u32 $0x1A, v0;
	_ =	sdelay $0x3  }
0x68: {  	[tilespmem:s12+$0xE480] =	vst v1  }
0x69: {  	v1 =	vld.idx.msk [tilespmem:v2+s2+$0x0], $0xffff  }
0x6a: {  	v2 =	vor.u32 $0x1B, v0;
	_ =	sdelay $0x3  }
0x6b: {  	[tilespmem:s12+$0xE500] =	vst v1  }
0x6c: {  	v1 =	vld.idx.msk [tilespmem:v2+s2+$0x0], $0xffff  }
0x6d: {  	v2 =	vor.u32 $0x1C, v0;
	_ =	sdelay $0x3  }
0x6e: {  	[tilespmem:s12+$0xE580] =	vst v1  }
0x6f: {  	v1 =	vld.idx.msk [tilespmem:v2+s2+$0x0], $0xffff  }
0x70: {  	v2 =	vor.u32 $0x1D, v0;
	_ =	sdelay $0x3  }
0x71: {  	[tilespmem:s12+$0xE600] =	vst v1  }
0x72: {  	v1 =	vld.idx.msk [tilespmem:v2+s2+$0x0], $0xffff  }
0x73: {  	v2 =	vor.u32 $0x1E, v0;
	_ =	sdelay $0x3  }
0x74: {  	[tilespmem:s12+$0xE680] =	vst v1  }
0x75: {  	v1 =	vld.idx.msk [tilespmem:v2+s2+$0x0], $0xffff  }
0x76: {  	v0 =	vor.u32 $0x1F, v0;
	_ =	sdelay $0x3  }
0x77: {  	[tilespmem:s12+$0xE700] =	vst v1  }
0x78: {  	s14 =	simm.s32 $0x0;
	s15 =	simm.s32 $0x8000;
	s13 =	simm.s32 $0x10;
	v0 =	vld.idx.msk [tilespmem:v0+s2+$0x0], $0xffff  }
.LBB2_2:
0x79: {  	_ =	sdelay $0x3  }
0x7a: {  	p0 =	sne.s32 s13, $0x3F0;
	s14 =	sadd.s32 $0x80, s14;
	s15 =	sadd.s32 $0x10, s15;
	[tilespmem:s12+$0xE780] =	vst v0  }
0x7b: {  	s16 =	smov.u32 s13;
	s13 =	sadd.s32 $0x10, s13;
	v0 =	vld [tilespmem:s15+$0x0];
	_ =	sdelay $0x4  }
0x7c: {  	v0 =	vshll.u32 v0, $0x5;
	_ =	sdelay $0x4  }
0x7d: {  	v1 =	vld.idx.msk [tilespmem:v0+s2+$0x0], $0xffff;
	_ =	sdelay $0x1  }
0x7e: {  	v2 =	vor.u32 $0x1, v0;
	_ =	sdelay $0x1  }
0x7f: {  	s17 =	sand.u32 $0x1C00, s14;
	s12 =	sand.u32 $0x70, s16  }
0x80: {  	s12 =	sor.u32 s12, s17  }
0x81: {  	[tilespmem:s12+$0x8400] =	vst v1  }
0x82: {  	v1 =	vld.idx.msk [tilespmem:v2+s2+$0x0], $0xffff;
	_ =	sdelay $0x1  }
0x83: {  	v2 =	vor.u32 $0x2, v0;
	_ =	sdelay $0x3  }
0x84: {  	[tilespmem:s12+$0x8480] =	vst v1  }
0x85: {  	v1 =	vld.idx.msk [tilespmem:v2+s2+$0x0], $0xffff;
	_ =	sdelay $0x1  }
0x86: {  	v2 =	vor.u32 $0x3, v0;
	_ =	sdelay $0x3  }
0x87: {  	[tilespmem:s12+$0x8500] =	vst v1  }
0x88: {  	v1 =	vld.idx.msk [tilespmem:v2+s2+$0x0], $0xffff;
	_ =	sdelay $0x1  }
0x89: {  	v2 =	vor.u32 $0x4, v0;
	_ =	sdelay $0x3  }
0x8a: {  	[tilespmem:s12+$0x8580] =	vst v1  }
0x8b: {  	v1 =	vld.idx.msk [tilespmem:v2+s2+$0x0], $0xffff;
	_ =	sdelay $0x1  }
0x8c: {  	v2 =	vor.u32 $0x5, v0;
	_ =	sdelay $0x3  }
0x8d: {  	[tilespmem:s12+$0x8600] =	vst v1  }
0x8e: {  	v1 =	vld.idx.msk [tilespmem:v2+s2+$0x0], $0xffff;
	_ =	sdelay $0x1  }
0x8f: {  	v2 =	vor.u32 $0x6, v0;
	_ =	sdelay $0x3  }
0x90: {  	[tilespmem:s12+$0x8680] =	vst v1  }
0x91: {  	v1 =	vld.idx.msk [tilespmem:v2+s2+$0x0], $0xffff;
	_ =	sdelay $0x1  }
0x92: {  	v2 =	vor.u32 $0x7, v0;
	_ =	sdelay $0x3  }
0x93: {  	[tilespmem:s12+$0x8700] =	vst v1  }
0x94: {  	v1 =	vld.idx.msk [tilespmem:v2+s2+$0x0], $0xffff;
	_ =	sdelay $0x1  }
0x95: {  	v2 =	vor.u32 $0x8, v0;
	_ =	sdelay $0x1  }
0x96: {  	s16 =	sor.u32 s14, s16  }
0x97: {  	s16 =	sor.u32 $0x380, s16  }
0x98: {  	[tilespmem:s16+$0x8400] =	vst v1  }
0x99: {  	v1 =	vld.idx.msk [tilespmem:v2+s2+$0x0], $0xffff;
	_ =	sdelay $0x1  }
0x9a: {  	v2 =	vor.u32 $0x9, v0;
	_ =	sdelay $0x3  }
0x9b: {  	[tilespmem:s12+$0xA400] =	vst v1  }
0x9c: {  	v1 =	vld.idx.msk [tilespmem:v2+s2+$0x0], $0xffff;
	_ =	sdelay $0x1  }
0x9d: {  	v2 =	vor.u32 $0xA, v0;
	_ =	sdelay $0x3  }
0x9e: {  	[tilespmem:s12+$0xA480] =	vst v1  }
0x9f: {  	v1 =	vld.idx.msk [tilespmem:v2+s2+$0x0], $0xffff;
	_ =	sdelay $0x1  }
0xa0: {  	v2 =	vor.u32 $0xB, v0;
	_ =	sdelay $0x3  }
0xa1: {  	[tilespmem:s12+$0xA500] =	vst v1  }
0xa2: {  	v1 =	vld.idx.msk [tilespmem:v2+s2+$0x0], $0xffff;
	_ =	sdelay $0x1  }
0xa3: {  	v2 =	vor.u32 $0xC, v0;
	_ =	sdelay $0x3  }
0xa4: {  	[tilespmem:s12+$0xA580] =	vst v1  }
0xa5: {  	v1 =	vld.idx.msk [tilespmem:v2+s2+$0x0], $0xffff;
	_ =	sdelay $0x1  }
0xa6: {  	v2 =	vor.u32 $0xD, v0;
	_ =	sdelay $0x3  }
0xa7: {  	[tilespmem:s12+$0xA600] =	vst v1  }
0xa8: {  	v1 =	vld.idx.msk [tilespmem:v2+s2+$0x0], $0xffff;
	_ =	sdelay $0x1  }
0xa9: {  	v2 =	vor.u32 $0xE, v0;
	_ =	sdelay $0x3  }
0xaa: {  	[tilespmem:s12+$0xA680] =	vst v1  }
0xab: {  	v1 =	vld.idx.msk [tilespmem:v2+s2+$0x0], $0xffff;
	_ =	sdelay $0x1  }
0xac: {  	v2 =	vor.u32 $0xF, v0;
	_ =	sdelay $0x3  }
0xad: {  	[tilespmem:s12+$0xA700] =	vst v1  }
0xae: {  	v1 =	vld.idx.msk [tilespmem:v2+s2+$0x0], $0xffff;
	_ =	sdelay $0x1  }
0xaf: {  	v2 =	vor.u32 $0x10, v0;
	_ =	sdelay $0x3  }
0xb0: {  	[tilespmem:s12+$0xA780] =	vst v1  }
0xb1: {  	v1 =	vld.idx.msk [tilespmem:v2+s2+$0x0], $0xffff;
	_ =	sdelay $0x1  }
0xb2: {  	v2 =	vor.u32 $0x11, v0;
	_ =	sdelay $0x3  }
0xb3: {  	[tilespmem:s12+$0xC400] =	vst v1  }
0xb4: {  	v1 =	vld.idx.msk [tilespmem:v2+s2+$0x0], $0xffff;
	_ =	sdelay $0x1  }
0xb5: {  	v2 =	vor.u32 $0x12, v0;
	_ =	sdelay $0x3  }
0xb6: {  	[tilespmem:s12+$0xC480] =	vst v1  }
0xb7: {  	v1 =	vld.idx.msk [tilespmem:v2+s2+$0x0], $0xffff;
	_ =	sdelay $0x1  }
0xb8: {  	v2 =	vor.u32 $0x13, v0;
	_ =	sdelay $0x3  }
0xb9: {  	[tilespmem:s12+$0xC500] =	vst v1  }
0xba: {  	v1 =	vld.idx.msk [tilespmem:v2+s2+$0x0], $0xffff;
	_ =	sdelay $0x1  }
0xbb: {  	v2 =	vor.u32 $0x14, v0;
	_ =	sdelay $0x3  }
0xbc: {  	[tilespmem:s12+$0xC580] =	vst v1  }
0xbd: {  	v1 =	vld.idx.msk [tilespmem:v2+s2+$0x0], $0xffff;
	_ =	sdelay $0x1  }
0xbe: {  	v2 =	vor.u32 $0x15, v0;
	_ =	sdelay $0x3  }
0xbf: {  	[tilespmem:s12+$0xC600] =	vst v1  }
0xc0: {  	v1 =	vld.idx.msk [tilespmem:v2+s2+$0x0], $0xffff;
	_ =	sdelay $0x1  }
0xc1: {  	v2 =	vor.u32 $0x16, v0;
	_ =	sdelay $0x3  }
0xc2: {  	[tilespmem:s12+$0xC680] =	vst v1  }
0xc3: {  	v1 =	vld.idx.msk [tilespmem:v2+s2+$0x0], $0xffff;
	_ =	sdelay $0x1  }
0xc4: {  	v2 =	vor.u32 $0x17, v0;
	_ =	sdelay $0x3  }
0xc5: {  	[tilespmem:s12+$0xC700] =	vst v1  }
0xc6: {  	v1 =	vld.idx.msk [tilespmem:v2+s2+$0x0], $0xffff;
	_ =	sdelay $0x1  }
0xc7: {  	v2 =	vor.u32 $0x18, v0;
	_ =	sdelay $0x3  }
0xc8: {  	[tilespmem:s12+$0xC780] =	vst v1  }
0xc9: {  	v1 =	vld.idx.msk [tilespmem:v2+s2+$0x0], $0xffff;
	_ =	sdelay $0x1  }
0xca: {  	v2 =	vor.u32 $0x19, v0;
	_ =	sdelay $0x3  }
0xcb: {  	[tilespmem:s12+$0xE400] =	vst v1  }
0xcc: {  	v1 =	vld.idx.msk [tilespmem:v2+s2+$0x0], $0xffff;
	_ =	sdelay $0x1  }
0xcd: {  	v2 =	vor.u32 $0x1A, v0;
	_ =	sdelay $0x3  }
0xce: {  	[tilespmem:s12+$0xE480] =	vst v1  }
0xcf: {  	v1 =	vld.idx.msk [tilespmem:v2+s2+$0x0], $0xffff;
	_ =	sdelay $0x1  }
0xd0: {  	v2 =	vor.u32 $0x1B, v0;
	_ =	sdelay $0x3  }
0xd1: {  	[tilespmem:s12+$0xE500] =	vst v1  }
0xd2: {  	v1 =	vld.idx.msk [tilespmem:v2+s2+$0x0], $0xffff;
	_ =	sdelay $0x1  }
0xd3: {  	v2 =	vor.u32 $0x1C, v0;
	_ =	sdelay $0x3  }
0xd4: {  	[tilespmem:s12+$0xE580] =	vst v1  }
0xd5: {  	v1 =	vld.idx.msk [tilespmem:v2+s2+$0x0], $0xffff;
	_ =	sdelay $0x1  }
0xd6: {  	v2 =	vor.u32 $0x1D, v0;
	_ =	sdelay $0x3  }
0xd7: {  	[tilespmem:s12+$0xE600] =	vst v1  }
0xd8: {  	v1 =	vld.idx.msk [tilespmem:v2+s2+$0x0], $0xffff;
	_ =	sdelay $0x1  }
0xd9: {  	v2 =	vor.u32 $0x1E, v0;
	_ =	sdelay $0x3  }
0xda: {  	[tilespmem:s12+$0xE680] =	vst v1  }
0xdb: {  	v1 =	vld.idx.msk [tilespmem:v2+s2+$0x0], $0xffff;
	_ =	sdelay $0x1  }
0xdc: {  	v0 =	vor.u32 $0x1F, v0  }
.Ltmp0:
0xdd: {  	(pc) =	sbr.rel @p0 .LBB2_2-.Ltmp0, $3  }
0xde: {  	_ =	sdelay $0x1  }
0xdf: {  	[tilespmem:s12+$0xE700] =	vst v1  }
0xe0: {  	v0 =	vld.idx.msk [tilespmem:v0+s2+$0x0], $0xffff  }
0xe1: {  	_ =	sdelay $0x1  }
0xe2: {  	s11 =	sadd.s32 $0x1, s11  }
0xe3: {  	p0 =	sne.s32 s11, s6  }
.Ltmp1:
0xe4: {  	[tilespmem:s12+$0xE780] =	vst v0;
	(pc) =	sbr.rel @p0 .LBB2_1-.Ltmp1, $4  }
0xe5: {  	[hbm4b:s5+s8] =	stream.strided.scatter [tilespmem:s10], [sflag:$0x1], $0x8000, s9, s8, $0x38;
	[tilespmem:$0x10400] =	vst v63  }
0xe6: {  	_ =	swait.ge [sflag:s7], $0x8000  }
0xe7: {  	[sflag:s7] =	ssyncset.done $0x0  }
0xe8: {  	[sflag:s7] =	ssyncadd.s32 $0xFFFF8000  }
0xe9: {  	_ =	sfence.sel $0x180000  }
0xea: {  	[bflag:$0x0] =	sbarrier.arrive $0xFFFF  }
0xeb: {  	p0 =	sne.s32 s1, $0x0;
	_ =	strace $0x90000047  }
0xec: {  	s0 =	sadd.s32 @!p0 $0x100000, s0;
	[bflag:$0x2] =	sbarrier.arrive $0xFFFF  }
0xed: {  	[sflag:s0] =	ssyncadd.tile.s32 @!p0 $0x1;
	_ =	shalt  }
.Lfunc_end2:
_tile_overlayer_lowered:
.L_overlay_start_2:
0xee: {  	(tag) =	ssettag $0x2  }
0xef: {  	s0 =	rddreg [dreg:$0x0];
	s2 =	stileid.u32  }
0xf0: {  	s1 =	rddreg [dreg:$0x1];
	p0 =	sne.s32 s2, $0x0  }
0xf1: {  	s3 =	rddreg [dreg:$0x2];
	[bflag:$0x3] =	sbarrier.arrive $0xFFFF;
	s2 =	simm.s32 @!p0 $0x1C01  }
0xf2: {  	[timem:s3], [sflag:s2] =	dma.local @!p0 [hbm:s0], s1  }
0xf3: {  	s0 =	simm.s32 @!p0 $0x1  }
0xf4: {  	_ =	swait.ge @!p0 [sflag:s0], s1  }
0xf5: {  	s1 =	ssub.s32 @!p0 $0x0, s1;
	[sflag:s0] =	ssyncset.done @!p0 $0x0  }
0xf6: {  	[sflag:s0] =	ssyncadd.s32 @!p0 s1  }
0xf7: {  	[bflag:$0x3] =	sbarrier.arrive $0xFFFF  }
0xf8: {  	_ =	shalt  }

</sc_bundles>
